<compile_context>
chip_gen: v7x
topology: tpu7x:2x2x1
jax: 0.10.2.dev20260603
libtpu: 0.0.44.dev20260713+nightly
codegen_flags: <defaults>
</compile_context>

<pallas_src>
import functools

import jax
import jax.numpy as jnp
from jax import lax
from jax.experimental import pallas as pl
from jax.experimental.pallas import tpu as pltpu
from jax.experimental.pallas import tpu_sc as plsc

B = 4
C = 64
N = 2048
K = 32
TN = 256
NT = N // TN
TR = 256
NR = N // TR
EPS = 1e-5
CNT = B * N * K

SC_CORES = 2
SC_SUBCORES = 16
NWORK = SC_CORES * SC_SUBCORES
ROWS_PER_W = N * K // NWORK
CH = 1024


def _knn_body(xf_ref, xt_ref, w_ref, idx_ref, u_ref, v_ref):
    x = xf_ref[...]
    xt = xt_ref[...]
    sq = jnp.sum(x * x, axis=0, keepdims=True)
    inner = lax.dot_general(xt, x, (((0,), (0,)), ((), ())),
                            preferred_element_type=jnp.float32)
    score = 2.0 * inner - sq
    iota = lax.broadcasted_iota(jnp.int32, (TN, N), 1)
    cols = []
    cur = score
    m = jnp.max(cur, axis=1, keepdims=True)
    for k in range(K):
        eq = cur == m
        am = jnp.min(jnp.where(eq, iota, N), axis=1, keepdims=True)
        cols.append(am)
        cur = jnp.where(eq, -jnp.inf, cur)
        if k < K - 1:
            m = jnp.max(cur, axis=1, keepdims=True)
    idx_ref[...] = jnp.concatenate(cols, axis=1)

    w = w_ref[...]
    wa = w[:, :C]
    wb = w[:, C:]
    u_ref[...] = lax.dot_general(xt, wa - wb, (((0,), (1,)), ((), ())),
                                 preferred_element_type=jnp.float32)
    v_ref[...] = lax.dot_general(xt, wb, (((0,), (1,)), ((), ())),
                                 preferred_element_type=jnp.float32)


def _gather_body(idx_hbm, tab_hbm, out_hbm, idx_v, rows_v, sem):
    wid = lax.axis_index("s") * SC_CORES + lax.axis_index("c")
    for j in range(ROWS_PER_W // CH):
        base = wid * ROWS_PER_W + j * CH
        pltpu.sync_copy(idx_hbm.at[pl.ds(base, CH)], idx_v)
        pltpu.async_copy(tab_hbm.at[idx_v], rows_v, sem).wait()
        pltpu.sync_copy(rows_v, out_hbm.at[pl.ds(base, CH)])


def _reduce_body(g_ref, u_ref, b1_ref, vmax_ref, vmin_ref, ps_ref, pss_ref):
    g = g_ref[...]
    u = u_ref[...]
    b1 = b1_ref[...]
    s = g[:, 0:C]
    vmax = s
    vmin = s
    gsum = s
    gssq = s * s
    for k in range(1, K):
        s = g[:, k * C:(k + 1) * C]
        vmax = jnp.maximum(vmax, s)
        vmin = jnp.minimum(vmin, s)
        gsum = gsum + s
        gssq = gssq + s * s
    vmax_ref[...] = vmax
    vmin_ref[...] = vmin
    ub = u + b1
    ps = float(K) * ub + gsum
    pss = float(K) * ub * ub + 2.0 * ub * gsum + gssq
    ps_ref[0] = jnp.sum(ps, axis=0, keepdims=True)
    pss_ref[0] = jnp.sum(pss, axis=0, keepdims=True)


def _out_body(ps_ref, pss_ref, u_ref, vmax_ref, vmin_ref, b1_ref,
              gam_ref, bet_ref, o_ref):
    mean = jnp.sum(ps_ref[:, 0, :], axis=0, keepdims=True) / CNT
    ex2 = jnp.sum(pss_ref[:, 0, :], axis=0, keepdims=True) / CNT
    var = ex2 - mean * mean
    gam = gam_ref[...]
    bet = bet_ref[...]
    b1 = b1_ref[...]
    scale = gam * lax.rsqrt(var + EPS)
    sel = jnp.where(gam >= 0.0, vmax_ref[...], vmin_ref[...])
    h = (u_ref[...] + b1 + sel - mean) * scale + bet
    o_ref[...] = jnp.maximum(h, 0.0).T


def _gather_call():
    return functools.partial(
        pl.kernel,
        mesh=plsc.VectorSubcoreMesh(
            core_axis_name="c", subcore_axis_name="s", num_cores=SC_CORES
        ),
        out_type=jax.ShapeDtypeStruct((N * K, C), jnp.float32),
        compiler_params=pltpu.CompilerParams(use_tc_tiling_on_sc=False),
        scratch_types=[
            pltpu.VMEM((CH,), jnp.int32),
            pltpu.VMEM((CH, C), jnp.float32),
            pltpu.SemaphoreType.DMA,
        ],
    )


_knn_call = None
_reduce_call = None
_out_call = None


def _build_calls():
    global _knn_call, _reduce_call, _out_call
    if _knn_call is not None:
        return
    _knn_call = pl.pallas_call(
        _knn_body,
        grid=(NT,),
        in_specs=[
            pl.BlockSpec((C, N), lambda t: (0, 0)),
            pl.BlockSpec((C, TN), lambda t: (0, t)),
            pl.BlockSpec((C, 2 * C), lambda t: (0, 0)),
        ],
        out_specs=[
            pl.BlockSpec((TN, K), lambda t: (t, 0)),
            pl.BlockSpec((TN, C), lambda t: (t, 0)),
            pl.BlockSpec((TN, C), lambda t: (t, 0)),
        ],
        out_shape=[
            jax.ShapeDtypeStruct((N, K), jnp.int32),
            jax.ShapeDtypeStruct((N, C), jnp.float32),
            jax.ShapeDtypeStruct((N, C), jnp.float32),
        ],
    )
    _reduce_call = pl.pallas_call(
        _reduce_body,
        grid=(NR,),
        in_specs=[
            pl.BlockSpec((TR, K * C), lambda t: (t, 0)),
            pl.BlockSpec((TR, C), lambda t: (t, 0)),
            pl.BlockSpec((1, C), lambda t: (0, 0)),
        ],
        out_specs=[
            pl.BlockSpec((TR, C), lambda t: (t, 0)),
            pl.BlockSpec((TR, C), lambda t: (t, 0)),
            pl.BlockSpec((1, 1, C), lambda t: (t, 0, 0)),
            pl.BlockSpec((1, 1, C), lambda t: (t, 0, 0)),
        ],
        out_shape=[
            jax.ShapeDtypeStruct((N, C), jnp.float32),
            jax.ShapeDtypeStruct((N, C), jnp.float32),
            jax.ShapeDtypeStruct((NR, 1, C), jnp.float32),
            jax.ShapeDtypeStruct((NR, 1, C), jnp.float32),
        ],
    )
    _out_call = pl.pallas_call(
        _out_body,
        grid=(NR,),
        in_specs=[
            pl.BlockSpec((B * NR, 1, C), lambda t: (0, 0, 0)),
            pl.BlockSpec((B * NR, 1, C), lambda t: (0, 0, 0)),
            pl.BlockSpec((TR, C), lambda t: (t, 0)),
            pl.BlockSpec((TR, C), lambda t: (t, 0)),
            pl.BlockSpec((TR, C), lambda t: (t, 0)),
            pl.BlockSpec((1, C), lambda t: (0, 0)),
            pl.BlockSpec((1, C), lambda t: (0, 0)),
            pl.BlockSpec((1, C), lambda t: (0, 0)),
        ],
        out_specs=pl.BlockSpec((C, TR), lambda t: (0, t)),
        out_shape=jax.ShapeDtypeStruct((C, N), jnp.float32),
    )


def kernel(points, W1, b1, gamma1, beta1):
    _build_calls()
    b1r = b1.reshape(1, C)
    gamr = gamma1.reshape(1, C)
    betr = beta1.reshape(1, C)
    gather = _gather_call()(_gather_body)

    per_b = []
    for b in range(B):
        idx_b, uT_b, vT_b = _knn_call(points[b], points[b], W1)
        g_b = gather(idx_b.reshape(N * K), vT_b)
        per_b.append((uT_b, g_b))

    stats = []
    for b in range(B):
        uT_b, g_b = per_b[b]
        vmax_b, vmin_b, ps_b, pss_b = _reduce_call(
            g_b.reshape(N, K * C), uT_b, b1r)
        stats.append((vmax_b, vmin_b, ps_b, pss_b))

    ps_all = jnp.concatenate([s[2] for s in stats], axis=0)
    pss_all = jnp.concatenate([s[3] for s in stats], axis=0)

    outs = []
    for b in range(B):
        uT_b, _ = per_b[b]
        vmax_b, vmin_b, _, _ = stats[b]
        outs.append(_out_call(ps_all, pss_all, uT_b, vmax_b, vmin_b,
                              b1r, gamr, betr))
    return jnp.stack(outs, axis=0)

# --- scband reference (transcript-rebuilt; emitter-appended) ---
"""Pipeline reference for scband-edge-conv-18889266167875 (READ-ONLY COPY).

The authoritative reference and input builder live on the scoring server;
editing this copy changes nothing except your own understanding.
"""

import jax, jax.numpy as jnp
import numpy as np

K_NEIGHBORS = 32
EPS = 1e-5


def setup_inputs(seed: int = 0) -> dict:
    key = jax.random.key(seed)
    k1, k2 = jax.random.split(key, 2)
    points = jax.random.normal(k1, (4, 64, 2048), dtype=jnp.float32)
    # shared MLP: one Conv2d(1x1) block: in=2*64=128, out=64, plus BatchNorm2d params
    W1 = jax.random.normal(k2, (64, 128), dtype=jnp.float32) * 0.05
    b1 = jnp.zeros((64,), dtype=jnp.float32)
    gamma1 = jnp.ones((64,), dtype=jnp.float32)
    beta1 = jnp.zeros((64,), dtype=jnp.float32)
    return {"points": points, "W1": W1, "b1": b1, "gamma1": gamma1, "beta1": beta1}


def _knn_idx(x, k):
    # x: [B, C, N]; kNN in feature space by squared euclidean distance
    sq = jnp.sum(x * x, axis=1)  # [B, N]
    inner = jnp.einsum('bcn,bcm->bnm', x, x)  # [B, N, N]
    dist = sq[:, :, None] + sq[:, None, :] - 2.0 * inner
    _, idx = jax.lax.top_k(-dist, k)  # [B, N, k] (includes self)
    return idx


def _edge_features(x, idx):
    # dynamic_graph_update: concat(x_i, x_j - x_i) over k neighbors
    B, C, N = x.shape
    k = idx.shape[-1]
    xt = jnp.transpose(x, (0, 2, 1))  # [B, N, C]
    batch_idx = jnp.arange(B)[:, None, None]
    neighbors = xt[batch_idx, idx]  # [B, N, k, C] gather
    center = jnp.broadcast_to(xt[:, :, None, :], (B, N, k, C))
    feat = jnp.concatenate([center, neighbors - center], axis=-1)  # [B, N, k, 2C]
    return jnp.transpose(feat, (0, 3, 1, 2))  # [B, 2C, N, k]


def reference(points, W1, b1, gamma1, beta1):
    idx = _knn_idx(points, K_NEIGHBORS)
    feat = _edge_features(points, idx)  # [B, 2C, N, K]
    # shared MLP block: Conv2d(1x1) -> BatchNorm2d (training-mode batch stats) -> ReLU
    h = jnp.einsum('oc,bcnk->bonk', W1, feat) + b1[None, :, None, None]
    mean = jnp.mean(h, axis=(0, 2, 3), keepdims=True)
    var = jnp.var(h, axis=(0, 2, 3), keepdims=True)
    h = (h - mean) / jnp.sqrt(var + EPS)
    h = gamma1[None, :, None, None] * h + beta1[None, :, None, None]
    h = jax.nn.relu(h)
    out = jnp.max(h, axis=3)  # [B, out_dim, N]
    return out

if __name__ == "__main__":
    import jax
    _d = setup_inputs()
    print(jax.jit(kernel)(*tuple(_d.values())))

</pallas_src>

<mosaic_0001>
#map = affine_map<(d0, d1) -> (0)>
#map1 = affine_map<(d0, d1) -> (0, 0)>
module attributes {stable_mosaic.version = 14 : i64} {
  func.func @_gather_body(%arg0: i32, %arg1: i32, %arg2: memref<65536xi32, #tpu.memory_space<hbm>>, %arg3: memref<2048x64xf32, #tpu.memory_space<hbm>>, %arg4: memref<65536x64xf32, #tpu.memory_space<hbm>>, %arg5: memref<1024xi32, #tpu.memory_space<vmem>>, %arg6: memref<1024x64xf32, #tpu.memory_space<vmem>>, %arg7: memref<!tpu.dma_semaphore, #tpu.memory_space<semaphore_mem>>) attributes {dimension_semantics = [#tpu.dimension_semantics<core_parallel>, #tpu.dimension_semantics<subcore_parallel>], iteration_bounds = array<i64: 2, 16>, scalar_prefetch = 0 : i64, scratch_operands = 3 : i64, tpu.core_type = #tpu.core_type<sc_vector_subcore>, window_params = [{transform_indices = #map}, {transform_indices = #map1}, {transform_indices = #map1}]} {
    %mul3A = arith.constant 2 : i32
    %mul3A_0 = arith.muli %arg1, %mul3A : i32
    %add3A = arith.addi %mul3A_0, %arg0 : i32
    %mul3A_1 = arith.constant 2048 : i32
    %mul3A_2 = arith.muli %add3A, %mul3A_1 : i32
    %add3A_3 = arith.constant 0 : i32
    %add3A_4 = arith.addi %mul3A_2, %add3A_3 : i32
    "tpu.region"() ({
      %run_scoped3A = tpu.sem_alloc : memref<!tpu.dma_semaphore, #tpu.memory_space<semaphore_mem>>
      %dma_start3A_19 = tpu.memref_slice %arg2[%add3A_4] : memref<65536xi32, #tpu.memory_space<hbm>> -> memref<1024xi32, #tpu.memory_space<hbm>>
      %dma_start3A_20 = tpu.memref_slice %arg2[%add3A_4] : memref<65536xi32, #tpu.memory_space<hbm>> -> memref<1024xi32, #tpu.memory_space<hbm>>
      tpu.enqueue_dma source(%dma_start3A_20 : memref<1024xi32, #tpu.memory_space<hbm>>) target(%arg5 : memref<1024xi32, #tpu.memory_space<vmem>>) target_semaphore(%run_scoped3A : memref<!tpu.dma_semaphore, #tpu.memory_space<semaphore_mem>>)
      %dma_wait3A_21 = tpu.memref_slice %arg2[%add3A_4] : memref<65536xi32, #tpu.memory_space<hbm>> -> memref<1024xi32, #tpu.memory_space<hbm>>
      %dma_wait3A_22 = tpu.memref_slice %arg2[%add3A_4] : memref<65536xi32, #tpu.memory_space<hbm>> -> memref<1024xi32, #tpu.memory_space<hbm>>
      tpu.wait_dma2 semaphore(%run_scoped3A : memref<!tpu.dma_semaphore, #tpu.memory_space<semaphore_mem>>) src(%dma_wait3A_22 : memref<1024xi32, #tpu.memory_space<hbm>>) dst(%arg5 : memref<1024xi32, #tpu.memory_space<vmem>>)
      tpu.yield
    }) : () -> ()
    %dma_start3A = arith.constant 0 : i32
    %dma_start3A_5 = arith.constant 0 : i32
    %dma_start3A_6 = tpu.memref_slice %arg3[%dma_start3A, %dma_start3A_5] : memref<2048x64xf32, #tpu.memory_space<hbm>> -> memref<2048x64xf32, #tpu.memory_space<hbm>>
    tpu.enqueue_indirect_dma source(%dma_start3A_6 : memref<2048x64xf32, #tpu.memory_space<hbm>>) target(%arg6 : memref<1024x64xf32, #tpu.memory_space<vmem>>) offsets(%arg5 : memref<1024xi32, #tpu.memory_space<vmem>>) semaphore(%arg7 : memref<!tpu.dma_semaphore, #tpu.memory_space<semaphore_mem>>)
    %dma_wait3A = arith.constant 0 : i32
    %dma_wait3A_7 = arith.constant 0 : i32
    %dma_wait3A_8 = tpu.memref_slice %arg3[%dma_wait3A, %dma_wait3A_7] : memref<2048x64xf32, #tpu.memory_space<hbm>> -> memref<2048x64xf32, #tpu.memory_space<hbm>>
    tpu.wait_indirect_dma semaphore(%arg7 : memref<!tpu.dma_semaphore, #tpu.memory_space<semaphore_mem>>) src(%dma_wait3A_8 : memref<2048x64xf32, #tpu.memory_space<hbm>>) dst(%arg6 : memref<1024x64xf32, #tpu.memory_space<vmem>>)
    "tpu.region"() ({
      %run_scoped3A = tpu.sem_alloc : memref<!tpu.dma_semaphore, #tpu.memory_space<semaphore_mem>>
      %dma_start3A_19 = arith.constant 0 : i32
      %dma_start3A_20 = tpu.memref_slice %arg4[%add3A_4, %dma_start3A_19] : memref<65536x64xf32, #tpu.memory_space<hbm>> -> memref<1024x64xf32, #tpu.memory_space<hbm>>
      %dma_start3A_21 = arith.constant 0 : i32
      %dma_start3A_22 = tpu.memref_slice %arg4[%add3A_4, %dma_start3A_21] : memref<65536x64xf32, #tpu.memory_space<hbm>> -> memref<1024x64xf32, #tpu.memory_space<hbm>>
      tpu.enqueue_dma source(%arg6 : memref<1024x64xf32, #tpu.memory_space<vmem>>) target(%dma_start3A_22 : memref<1024x64xf32, #tpu.memory_space<hbm>>) target_semaphore(%run_scoped3A : memref<!tpu.dma_semaphore, #tpu.memory_space<semaphore_mem>>)
      %dma_wait3A_23 = arith.constant 0 : i32
      %dma_wait3A_24 = tpu.memref_slice %arg4[%add3A_4, %dma_wait3A_23] : memref<65536x64xf32, #tpu.memory_space<hbm>> -> memref<1024x64xf32, #tpu.memory_space<hbm>>
      %dma_wait3A_25 = arith.constant 0 : i32
      %dma_wait3A_26 = tpu.memref_slice %arg4[%add3A_4, %dma_wait3A_25] : memref<65536x64xf32, #tpu.memory_space<hbm>> -> memref<1024x64xf32, #tpu.memory_space<hbm>>
      tpu.wait_dma2 semaphore(%run_scoped3A : memref<!tpu.dma_semaphore, #tpu.memory_space<semaphore_mem>>) src(%arg6 : memref<1024x64xf32, #tpu.memory_space<vmem>>) dst(%dma_wait3A_26 : memref<1024x64xf32, #tpu.memory_space<hbm>>)
      tpu.yield
    }) : () -> ()
    %mul3A_9 = arith.constant 2048 : i32
    %mul3A_10 = arith.muli %add3A, %mul3A_9 : i32
    %add3A_11 = arith.constant 1024 : i32
    %add3A_12 = arith.addi %mul3A_10, %add3A_11 : i32
    "tpu.region"() ({
      %run_scoped3A = tpu.sem_alloc : memref<!tpu.dma_semaphore, #tpu.memory_space<semaphore_mem>>
      %dma_start3A_19 = tpu.memref_slice %arg2[%add3A_12] : memref<65536xi32, #tpu.memory_space<hbm>> -> memref<1024xi32, #tpu.memory_space<hbm>>
      %dma_start3A_20 = tpu.memref_slice %arg2[%add3A_12] : memref<65536xi32, #tpu.memory_space<hbm>> -> memref<1024xi32, #tpu.memory_space<hbm>>
      tpu.enqueue_dma source(%dma_start3A_20 : memref<1024xi32, #tpu.memory_space<hbm>>) target(%arg5 : memref<1024xi32, #tpu.memory_space<vmem>>) target_semaphore(%run_scoped3A : memref<!tpu.dma_semaphore, #tpu.memory_space<semaphore_mem>>)
      %dma_wait3A_21 = tpu.memref_slice %arg2[%add3A_12] : memref<65536xi32, #tpu.memory_space<hbm>> -> memref<1024xi32, #tpu.memory_space<hbm>>
      %dma_wait3A_22 = tpu.memref_slice %arg2[%add3A_12] : memref<65536xi32, #tpu.memory_space<hbm>> -> memref<1024xi32, #tpu.memory_space<hbm>>
      tpu.wait_dma2 semaphore(%run_scoped3A : memref<!tpu.dma_semaphore, #tpu.memory_space<semaphore_mem>>) src(%dma_wait3A_22 : memref<1024xi32, #tpu.memory_space<hbm>>) dst(%arg5 : memref<1024xi32, #tpu.memory_space<vmem>>)
      tpu.yield
    }) : () -> ()
    %dma_start3A_13 = arith.constant 0 : i32
    %dma_start3A_14 = arith.constant 0 : i32
    %dma_start3A_15 = tpu.memref_slice %arg3[%dma_start3A_13, %dma_start3A_14] : memref<2048x64xf32, #tpu.memory_space<hbm>> -> memref<2048x64xf32, #tpu.memory_space<hbm>>
    tpu.enqueue_indirect_dma source(%dma_start3A_15 : memref<2048x64xf32, #tpu.memory_space<hbm>>) target(%arg6 : memref<1024x64xf32, #tpu.memory_space<vmem>>) offsets(%arg5 : memref<1024xi32, #tpu.memory_space<vmem>>) semaphore(%arg7 : memref<!tpu.dma_semaphore, #tpu.memory_space<semaphore_mem>>)
    %dma_wait3A_16 = arith.constant 0 : i32
    %dma_wait3A_17 = arith.constant 0 : i32
    %dma_wait3A_18 = tpu.memref_slice %arg3[%dma_wait3A_16, %dma_wait3A_17] : memref<2048x64xf32, #tpu.memory_space<hbm>> -> memref<2048x64xf32, #tpu.memory_space<hbm>>
    tpu.wait_indirect_dma semaphore(%arg7 : memref<!tpu.dma_semaphore, #tpu.memory_space<semaphore_mem>>) src(%dma_wait3A_18 : memref<2048x64xf32, #tpu.memory_space<hbm>>) dst(%arg6 : memref<1024x64xf32, #tpu.memory_space<vmem>>)
    "tpu.region"() ({
      %run_scoped3A = tpu.sem_alloc : memref<!tpu.dma_semaphore, #tpu.memory_space<semaphore_mem>>
      %dma_start3A_19 = arith.constant 0 : i32
      %dma_start3A_20 = tpu.memref_slice %arg4[%add3A_12, %dma_start3A_19] : memref<65536x64xf32, #tpu.memory_space<hbm>> -> memref<1024x64xf32, #tpu.memory_space<hbm>>
      %dma_start3A_21 = arith.constant 0 : i32
      %dma_start3A_22 = tpu.memref_slice %arg4[%add3A_12, %dma_start3A_21] : memref<65536x64xf32, #tpu.memory_space<hbm>> -> memref<1024x64xf32, #tpu.memory_space<hbm>>
      tpu.enqueue_dma source(%arg6 : memref<1024x64xf32, #tpu.memory_space<vmem>>) target(%dma_start3A_22 : memref<1024x64xf32, #tpu.memory_space<hbm>>) target_semaphore(%run_scoped3A : memref<!tpu.dma_semaphore, #tpu.memory_space<semaphore_mem>>)
      %dma_wait3A_23 = arith.constant 0 : i32
      %dma_wait3A_24 = tpu.memref_slice %arg4[%add3A_12, %dma_wait3A_23] : memref<65536x64xf32, #tpu.memory_space<hbm>> -> memref<1024x64xf32, #tpu.memory_space<hbm>>
      %dma_wait3A_25 = arith.constant 0 : i32
      %dma_wait3A_26 = tpu.memref_slice %arg4[%add3A_12, %dma_wait3A_25] : memref<65536x64xf32, #tpu.memory_space<hbm>> -> memref<1024x64xf32, #tpu.memory_space<hbm>>
      tpu.wait_dma2 semaphore(%run_scoped3A : memref<!tpu.dma_semaphore, #tpu.memory_space<semaphore_mem>>) src(%arg6 : memref<1024x64xf32, #tpu.memory_space<vmem>>) dst(%dma_wait3A_26 : memref<1024x64xf32, #tpu.memory_space<hbm>>)
      tpu.yield
    }) : () -> ()
    return
  }
}

#map = affine_map<(d0, d1) -> (0)>
#map1 = affine_map<(d0, d1) -> (0, 0)>
module attributes {stable_mosaic.version = 14 : i64} {
  func.func @_gather_body(%arg0: i32, %arg1: i32, %arg2: memref<65536xi32, #tpu.memory_space<hbm>>, %arg3: memref<2048x64xf32, #tpu.memory_space<hbm>>, %arg4: memref<65536x64xf32, #tpu.memory_space<hbm>>, %arg5: memref<1024xi32, #tpu.memory_space<vmem>>, %arg6: memref<1024x64xf32, #tpu.memory_space<vmem>>, %arg7: memref<!tpu.dma_semaphore, #tpu.memory_space<semaphore_mem>>) attributes {dimension_semantics = [#tpu.dimension_semantics<core_parallel>, #tpu.dimension_semantics<subcore_parallel>], iteration_bounds = array<i64: 2, 16>, scalar_prefetch = 0 : i64, scratch_operands = 3 : i64, tpu.core_type = #tpu.core_type<sc_vector_subcore>, window_params = [{transform_indices = #map}, {transform_indices = #map1}, {transform_indices = #map1}]} {
    %mul3A = arith.constant 2 : i32
    %mul3A_0 = arith.muli %arg1, %mul3A : i32
    %add3A = arith.addi %mul3A_0, %arg0 : i32
    %mul3A_1 = arith.constant 2048 : i32
    %mul3A_2 = arith.muli %add3A, %mul3A_1 : i32
    %add3A_3 = arith.constant 0 : i32
    %add3A_4 = arith.addi %mul3A_2, %add3A_3 : i32
    "tpu.region"() ({
      %run_scoped3A = tpu.sem_alloc : memref<!tpu.dma_semaphore, #tpu.memory_space<semaphore_mem>>
      %dma_start3A_19 = tpu.memref_slice %arg2[%add3A_4] : memref<65536xi32, #tpu.memory_space<hbm>> -> memref<1024xi32, #tpu.memory_space<hbm>>
      %dma_start3A_20 = tpu.memref_slice %arg2[%add3A_4] : memref<65536xi32, #tpu.memory_space<hbm>> -> memref<1024xi32, #tpu.memory_space<hbm>>
      tpu.enqueue_dma source(%dma_start3A_20 : memref<1024xi32, #tpu.memory_space<hbm>>) target(%arg5 : memref<1024xi32, #tpu.memory_space<vmem>>) target_semaphore(%run_scoped3A : memref<!tpu.dma_semaphore, #tpu.memory_space<semaphore_mem>>)
      %dma_wait3A_21 = tpu.memref_slice %arg2[%add3A_4] : memref<65536xi32, #tpu.memory_space<hbm>> -> memref<1024xi32, #tpu.memory_space<hbm>>
      %dma_wait3A_22 = tpu.memref_slice %arg2[%add3A_4] : memref<65536xi32, #tpu.memory_space<hbm>> -> memref<1024xi32, #tpu.memory_space<hbm>>
      tpu.wait_dma2 semaphore(%run_scoped3A : memref<!tpu.dma_semaphore, #tpu.memory_space<semaphore_mem>>) src(%dma_wait3A_22 : memref<1024xi32, #tpu.memory_space<hbm>>) dst(%arg5 : memref<1024xi32, #tpu.memory_space<vmem>>)
      tpu.yield
    }) : () -> ()
    %dma_start3A = arith.constant 0 : i32
    %dma_start3A_5 = arith.constant 0 : i32
    %dma_start3A_6 = tpu.memref_slice %arg3[%dma_start3A, %dma_start3A_5] : memref<2048x64xf32, #tpu.memory_space<hbm>> -> memref<2048x64xf32, #tpu.memory_space<hbm>>
    tpu.enqueue_indirect_dma source(%dma_start3A_6 : memref<2048x64xf32, #tpu.memory_space<hbm>>) target(%arg6 : memref<1024x64xf32, #tpu.memory_space<vmem>>) offsets(%arg5 : memref<1024xi32, #tpu.memory_space<vmem>>) semaphore(%arg7 : memref<!tpu.dma_semaphore, #tpu.memory_space<semaphore_mem>>)
    %dma_wait3A = arith.constant 0 : i32
    %dma_wait3A_7 = arith.constant 0 : i32
    %dma_wait3A_8 = tpu.memref_slice %arg3[%dma_wait3A, %dma_wait3A_7] : memref<2048x64xf32, #tpu.memory_space<hbm>> -> memref<2048x64xf32, #tpu.memory_space<hbm>>
    tpu.wait_indirect_dma semaphore(%arg7 : memref<!tpu.dma_semaphore, #tpu.memory_space<semaphore_mem>>) src(%dma_wait3A_8 : memref<2048x64xf32, #tpu.memory_space<hbm>>) dst(%arg6 : memref<1024x64xf32, #tpu.memory_space<vmem>>)
    "tpu.region"() ({
      %run_scoped3A = tpu.sem_alloc : memref<!tpu.dma_semaphore, #tpu.memory_space<semaphore_mem>>
      %dma_start3A_19 = arith.constant 0 : i32
      %dma_start3A_20 = tpu.memref_slice %arg4[%add3A_4, %dma_start3A_19] : memref<65536x64xf32, #tpu.memory_space<hbm>> -> memref<1024x64xf32, #tpu.memory_space<hbm>>
      %dma_start3A_21 = arith.constant 0 : i32
      %dma_start3A_22 = tpu.memref_slice %arg4[%add3A_4, %dma_start3A_21] : memref<65536x64xf32, #tpu.memory_space<hbm>> -> memref<1024x64xf32, #tpu.memory_space<hbm>>
      tpu.enqueue_dma source(%arg6 : memref<1024x64xf32, #tpu.memory_space<vmem>>) target(%dma_start3A_22 : memref<1024x64xf32, #tpu.memory_space<hbm>>) target_semaphore(%run_scoped3A : memref<!tpu.dma_semaphore, #tpu.memory_space<semaphore_mem>>)
      %dma_wait3A_23 = arith.constant 0 : i32
      %dma_wait3A_24 = tpu.memref_slice %arg4[%add3A_4, %dma_wait3A_23] : memref<65536x64xf32, #tpu.memory_space<hbm>> -> memref<1024x64xf32, #tpu.memory_space<hbm>>
      %dma_wait3A_25 = arith.constant 0 : i32
      %dma_wait3A_26 = tpu.memref_slice %arg4[%add3A_4, %dma_wait3A_25] : memref<65536x64xf32, #tpu.memory_space<hbm>> -> memref<1024x64xf32, #tpu.memory_space<hbm>>
      tpu.wait_dma2 semaphore(%run_scoped3A : memref<!tpu.dma_semaphore, #tpu.memory_space<semaphore_mem>>) src(%arg6 : memref<1024x64xf32, #tpu.memory_space<vmem>>) dst(%dma_wait3A_26 : memref<1024x64xf32, #tpu.memory_space<hbm>>)
      tpu.yield
    }) : () -> ()
    %mul3A_9 = arith.constant 2048 : i32
    %mul3A_10 = arith.muli %add3A, %mul3A_9 : i32
    %add3A_11 = arith.constant 1024 : i32
    %add3A_12 = arith.addi %mul3A_10, %add3A_11 : i32
    "tpu.region"() ({
      %run_scoped3A = tpu.sem_alloc : memref<!tpu.dma_semaphore, #tpu.memory_space<semaphore_mem>>
      %dma_start3A_19 = tpu.memref_slice %arg2[%add3A_12] : memref<65536xi32, #tpu.memory_space<hbm>> -> memref<1024xi32, #tpu.memory_space<hbm>>
      %dma_start3A_20 = tpu.memref_slice %arg2[%add3A_12] : memref<65536xi32, #tpu.memory_space<hbm>> -> memref<1024xi32, #tpu.memory_space<hbm>>
      tpu.enqueue_dma source(%dma_start3A_20 : memref<1024xi32, #tpu.memory_space<hbm>>) target(%arg5 : memref<1024xi32, #tpu.memory_space<vmem>>) target_semaphore(%run_scoped3A : memref<!tpu.dma_semaphore, #tpu.memory_space<semaphore_mem>>)
      %dma_wait3A_21 = tpu.memref_slice %arg2[%add3A_12] : memref<65536xi32, #tpu.memory_space<hbm>> -> memref<1024xi32, #tpu.memory_space<hbm>>
      %dma_wait3A_22 = tpu.memref_slice %arg2[%add3A_12] : memref<65536xi32, #tpu.memory_space<hbm>> -> memref<1024xi32, #tpu.memory_space<hbm>>
      tpu.wait_dma2 semaphore(%run_scoped3A : memref<!tpu.dma_semaphore, #tpu.memory_space<semaphore_mem>>) src(%dma_wait3A_22 : memref<1024xi32, #tpu.memory_space<hbm>>) dst(%arg5 : memref<1024xi32, #tpu.memory_space<vmem>>)
      tpu.yield
    }) : () -> ()
    %dma_start3A_13 = arith.constant 0 : i32
    %dma_start3A_14 = arith.constant 0 : i32
    %dma_start3A_15 = tpu.memref_slice %arg3[%dma_start3A_13, %dma_start3A_14] : memref<2048x64xf32, #tpu.memory_space<hbm>> -> memref<2048x64xf32, #tpu.memory_space<hbm>>
    tpu.enqueue_indirect_dma source(%dma_start3A_15 : memref<2048x64xf32, #tpu.memory_space<hbm>>) target(%arg6 : memref<1024x64xf32, #tpu.memory_space<vmem>>) offsets(%arg5 : memref<1024xi32, #tpu.memory_space<vmem>>) semaphore(%arg7 : memref<!tpu.dma_semaphore, #tpu.memory_space<semaphore_mem>>)
    %dma_wait3A_16 = arith.constant 0 : i32
    %dma_wait3A_17 = arith.constant 0 : i32
    %dma_wait3A_18 = tpu.memref_slice %arg3[%dma_wait3A_16, %dma_wait3A_17] : memref<2048x64xf32, #tpu.memory_space<hbm>> -> memref<2048x64xf32, #tpu.memory_space<hbm>>
    tpu.wait_indirect_dma semaphore(%arg7 : memref<!tpu.dma_semaphore, #tpu.memory_space<semaphore_mem>>) src(%dma_wait3A_18 : memref<2048x64xf32, #tpu.memory_space<hbm>>) dst(%arg6 : memref<1024x64xf32, #tpu.memory_space<vmem>>)
    "tpu.region"() ({
      %run_scoped3A = tpu.sem_alloc : memref<!tpu.dma_semaphore, #tpu.memory_space<semaphore_mem>>
      %dma_start3A_19 = arith.constant 0 : i32
      %dma_start3A_20 = tpu.memref_slice %arg4[%add3A_12, %dma_start3A_19] : memref<65536x64xf32, #tpu.memory_space<hbm>> -> memref<1024x64xf32, #tpu.memory_space<hbm>>
      %dma_start3A_21 = arith.constant 0 : i32
      %dma_start3A_22 = tpu.memref_slice %arg4[%add3A_12, %dma_start3A_21] : memref<65536x64xf32, #tpu.memory_space<hbm>> -> memref<1024x64xf32, #tpu.memory_space<hbm>>
      tpu.enqueue_dma source(%arg6 : memref<1024x64xf32, #tpu.memory_space<vmem>>) target(%dma_start3A_22 : memref<1024x64xf32, #tpu.memory_space<hbm>>) target_semaphore(%run_scoped3A : memref<!tpu.dma_semaphore, #tpu.memory_space<semaphore_mem>>)
      %dma_wait3A_23 = arith.constant 0 : i32
      %dma_wait3A_24 = tpu.memref_slice %arg4[%add3A_12, %dma_wait3A_23] : memref<65536x64xf32, #tpu.memory_space<hbm>> -> memref<1024x64xf32, #tpu.memory_space<hbm>>
      %dma_wait3A_25 = arith.constant 0 : i32
      %dma_wait3A_26 = tpu.memref_slice %arg4[%add3A_12, %dma_wait3A_25] : memref<65536x64xf32, #tpu.memory_space<hbm>> -> memref<1024x64xf32, #tpu.memory_space<hbm>>
      tpu.wait_dma2 semaphore(%run_scoped3A : memref<!tpu.dma_semaphore, #tpu.memory_space<semaphore_mem>>) src(%arg6 : memref<1024x64xf32, #tpu.memory_space<vmem>>) dst(%dma_wait3A_26 : memref<1024x64xf32, #tpu.memory_space<hbm>>)
      tpu.yield
    }) : () -> ()
    return
  }
}

#map = affine_map<(d0, d1) -> (0)>
#map1 = affine_map<(d0, d1) -> (0, 0)>
module attributes {stable_mosaic.version = 14 : i64} {
  func.func @_gather_body(%arg0: i32, %arg1: i32, %arg2: memref<65536xi32, #tpu.memory_space<hbm>>, %arg3: memref<2048x64xf32, #tpu.memory_space<hbm>>, %arg4: memref<65536x64xf32, #tpu.memory_space<hbm>>, %arg5: memref<1024xi32, #tpu.memory_space<vmem>>, %arg6: memref<1024x64xf32, #tpu.memory_space<vmem>>, %arg7: memref<!tpu.dma_semaphore, #tpu.memory_space<semaphore_mem>>) attributes {dimension_semantics = [#tpu.dimension_semantics<core_parallel>, #tpu.dimension_semantics<subcore_parallel>], iteration_bounds = array<i64: 2, 16>, scalar_prefetch = 0 : i64, scratch_operands = 3 : i64, tpu.core_type = #tpu.core_type<sc_vector_subcore>, window_params = [{transform_indices = #map}, {transform_indices = #map1}, {transform_indices = #map1}]} {
    %mul3A = arith.constant 2 : i32
    %mul3A_0 = arith.muli %arg1, %mul3A : i32
    %add3A = arith.addi %mul3A_0, %arg0 : i32
    %mul3A_1 = arith.constant 2048 : i32
    %mul3A_2 = arith.muli %add3A, %mul3A_1 : i32
    %add3A_3 = arith.constant 0 : i32
    %add3A_4 = arith.addi %mul3A_2, %add3A_3 : i32
    "tpu.region"() ({
      %run_scoped3A = tpu.sem_alloc : memref<!tpu.dma_semaphore, #tpu.memory_space<semaphore_mem>>
      %dma_start3A_19 = tpu.memref_slice %arg2[%add3A_4] : memref<65536xi32, #tpu.memory_space<hbm>> -> memref<1024xi32, #tpu.memory_space<hbm>>
      %dma_start3A_20 = tpu.memref_slice %arg2[%add3A_4] : memref<65536xi32, #tpu.memory_space<hbm>> -> memref<1024xi32, #tpu.memory_space<hbm>>
      tpu.enqueue_dma source(%dma_start3A_20 : memref<1024xi32, #tpu.memory_space<hbm>>) target(%arg5 : memref<1024xi32, #tpu.memory_space<vmem>>) target_semaphore(%run_scoped3A : memref<!tpu.dma_semaphore, #tpu.memory_space<semaphore_mem>>)
      %dma_wait3A_21 = tpu.memref_slice %arg2[%add3A_4] : memref<65536xi32, #tpu.memory_space<hbm>> -> memref<1024xi32, #tpu.memory_space<hbm>>
      %dma_wait3A_22 = tpu.memref_slice %arg2[%add3A_4] : memref<65536xi32, #tpu.memory_space<hbm>> -> memref<1024xi32, #tpu.memory_space<hbm>>
      tpu.wait_dma2 semaphore(%run_scoped3A : memref<!tpu.dma_semaphore, #tpu.memory_space<semaphore_mem>>) src(%dma_wait3A_22 : memref<1024xi32, #tpu.memory_space<hbm>>) dst(%arg5 : memref<1024xi32, #tpu.memory_space<vmem>>)
      tpu.yield
    }) : () -> ()
    %dma_start3A = arith.constant 0 : i32
    %dma_start3A_5 = arith.constant 0 : i32
    %dma_start3A_6 = tpu.memref_slice %arg3[%dma_start3A, %dma_start3A_5] : memref<2048x64xf32, #tpu.memory_space<hbm>> -> memref<2048x64xf32, #tpu.memory_space<hbm>>
    tpu.enqueue_indirect_dma source(%dma_start3A_6 : memref<2048x64xf32, #tpu.memory_space<hbm>>) target(%arg6 : memref<1024x64xf32, #tpu.memory_space<vmem>>) offsets(%arg5 : memref<1024xi32, #tpu.memory_space<vmem>>) semaphore(%arg7 : memref<!tpu.dma_semaphore, #tpu.memory_space<semaphore_mem>>)
    %dma_wait3A = arith.constant 0 : i32
    %dma_wait3A_7 = arith.constant 0 : i32
    %dma_wait3A_8 = tpu.memref_slice %arg3[%dma_wait3A, %dma_wait3A_7] : memref<2048x64xf32, #tpu.memory_space<hbm>> -> memref<2048x64xf32, #tpu.memory_space<hbm>>
    tpu.wait_indirect_dma semaphore(%arg7 : memref<!tpu.dma_semaphore, #tpu.memory_space<semaphore_mem>>) src(%dma_wait3A_8 : memref<2048x64xf32, #tpu.memory_space<hbm>>) dst(%arg6 : memref<1024x64xf32, #tpu.memory_space<vmem>>)
    "tpu.region"() ({
      %run_scoped3A = tpu.sem_alloc : memref<!tpu.dma_semaphore, #tpu.memory_space<semaphore_mem>>
      %dma_start3A_19 = arith.constant 0 : i32
      %dma_start3A_20 = tpu.memref_slice %arg4[%add3A_4, %dma_start3A_19] : memref<65536x64xf32, #tpu.memory_space<hbm>> -> memref<1024x64xf32, #tpu.memory_space<hbm>>
      %dma_start3A_21 = arith.constant 0 : i32
      %dma_start3A_22 = tpu.memref_slice %arg4[%add3A_4, %dma_start3A_21] : memref<65536x64xf32, #tpu.memory_space<hbm>> -> memref<1024x64xf32, #tpu.memory_space<hbm>>
      tpu.enqueue_dma source(%arg6 : memref<1024x64xf32, #tpu.memory_space<vmem>>) target(%dma_start3A_22 : memref<1024x64xf32, #tpu.memory_space<hbm>>) target_semaphore(%run_scoped3A : memref<!tpu.dma_semaphore, #tpu.memory_space<semaphore_mem>>)
      %dma_wait3A_23 = arith.constant 0 : i32
      %dma_wait3A_24 = tpu.memref_slice %arg4[%add3A_4, %dma_wait3A_23] : memref<65536x64xf32, #tpu.memory_space<hbm>> -> memref<1024x64xf32, #tpu.memory_space<hbm>>
      %dma_wait3A_25 = arith.constant 0 : i32
      %dma_wait3A_26 = tpu.memref_slice %arg4[%add3A_4, %dma_wait3A_25] : memref<65536x64xf32, #tpu.memory_space<hbm>> -> memref<1024x64xf32, #tpu.memory_space<hbm>>
      tpu.wait_dma2 semaphore(%run_scoped3A : memref<!tpu.dma_semaphore, #tpu.memory_space<semaphore_mem>>) src(%arg6 : memref<1024x64xf32, #tpu.memory_space<vmem>>) dst(%dma_wait3A_26 : memref<1024x64xf32, #tpu.memory_space<hbm>>)
      tpu.yield
    }) : () -> ()
    %mul3A_9 = arith.constant 2048 : i32
    %mul3A_10 = arith.muli %add3A, %mul3A_9 : i32
    %add3A_11 = arith.constant 1024 : i32
    %add3A_12 = arith.addi %mul3A_10, %add3A_11 : i32
    "tpu.region"() ({
      %run_scoped3A = tpu.sem_alloc : memref<!tpu.dma_semaphore, #tpu.memory_space<semaphore_mem>>
      %dma_start3A_19 = tpu.memref_slice %arg2[%add3A_12] : memref<65536xi32, #tpu.memory_space<hbm>> -> memref<1024xi32, #tpu.memory_space<hbm>>
      %dma_start3A_20 = tpu.memref_slice %arg2[%add3A_12] : memref<65536xi32, #tpu.memory_space<hbm>> -> memref<1024xi32, #tpu.memory_space<hbm>>
      tpu.enqueue_dma source(%dma_start3A_20 : memref<1024xi32, #tpu.memory_space<hbm>>) target(%arg5 : memref<1024xi32, #tpu.memory_space<vmem>>) target_semaphore(%run_scoped3A : memref<!tpu.dma_semaphore, #tpu.memory_space<semaphore_mem>>)
      %dma_wait3A_21 = tpu.memref_slice %arg2[%add3A_12] : memref<65536xi32, #tpu.memory_space<hbm>> -> memref<1024xi32, #tpu.memory_space<hbm>>
      %dma_wait3A_22 = tpu.memref_slice %arg2[%add3A_12] : memref<65536xi32, #tpu.memory_space<hbm>> -> memref<1024xi32, #tpu.memory_space<hbm>>
      tpu.wait_dma2 semaphore(%run_scoped3A : memref<!tpu.dma_semaphore, #tpu.memory_space<semaphore_mem>>) src(%dma_wait3A_22 : memref<1024xi32, #tpu.memory_space<hbm>>) dst(%arg5 : memref<1024xi32, #tpu.memory_space<vmem>>)
      tpu.yield
    }) : () -> ()
    %dma_start3A_13 = arith.constant 0 : i32
    %dma_start3A_14 = arith.constant 0 : i32
    %dma_start3A_15 = tpu.memref_slice %arg3[%dma_start3A_13, %dma_start3A_14] : memref<2048x64xf32, #tpu.memory_space<hbm>> -> memref<2048x64xf32, #tpu.memory_space<hbm>>
    tpu.enqueue_indirect_dma source(%dma_start3A_15 : memref<2048x64xf32, #tpu.memory_space<hbm>>) target(%arg6 : memref<1024x64xf32, #tpu.memory_space<vmem>>) offsets(%arg5 : memref<1024xi32, #tpu.memory_space<vmem>>) semaphore(%arg7 : memref<!tpu.dma_semaphore, #tpu.memory_space<semaphore_mem>>)
    %dma_wait3A_16 = arith.constant 0 : i32
    %dma_wait3A_17 = arith.constant 0 : i32
    %dma_wait3A_18 = tpu.memref_slice %arg3[%dma_wait3A_16, %dma_wait3A_17] : memref<2048x64xf32, #tpu.memory_space<hbm>> -> memref<2048x64xf32, #tpu.memory_space<hbm>>
    tpu.wait_indirect_dma semaphore(%arg7 : memref<!tpu.dma_semaphore, #tpu.memory_space<semaphore_mem>>) src(%dma_wait3A_18 : memref<2048x64xf32, #tpu.memory_space<hbm>>) dst(%arg6 : memref<1024x64xf32, #tpu.memory_space<vmem>>)
    "tpu.region"() ({
      %run_scoped3A = tpu.sem_alloc : memref<!tpu.dma_semaphore, #tpu.memory_space<semaphore_mem>>
      %dma_start3A_19 = arith.constant 0 : i32
      %dma_start3A_20 = tpu.memref_slice %arg4[%add3A_12, %dma_start3A_19] : memref<65536x64xf32, #tpu.memory_space<hbm>> -> memref<1024x64xf32, #tpu.memory_space<hbm>>
      %dma_start3A_21 = arith.constant 0 : i32
      %dma_start3A_22 = tpu.memref_slice %arg4[%add3A_12, %dma_start3A_21] : memref<65536x64xf32, #tpu.memory_space<hbm>> -> memref<1024x64xf32, #tpu.memory_space<hbm>>
      tpu.enqueue_dma source(%arg6 : memref<1024x64xf32, #tpu.memory_space<vmem>>) target(%dma_start3A_22 : memref<1024x64xf32, #tpu.memory_space<hbm>>) target_semaphore(%run_scoped3A : memref<!tpu.dma_semaphore, #tpu.memory_space<semaphore_mem>>)
      %dma_wait3A_23 = arith.constant 0 : i32
      %dma_wait3A_24 = tpu.memref_slice %arg4[%add3A_12, %dma_wait3A_23] : memref<65536x64xf32, #tpu.memory_space<hbm>> -> memref<1024x64xf32, #tpu.memory_space<hbm>>
      %dma_wait3A_25 = arith.constant 0 : i32
      %dma_wait3A_26 = tpu.memref_slice %arg4[%add3A_12, %dma_wait3A_25] : memref<65536x64xf32, #tpu.memory_space<hbm>> -> memref<1024x64xf32, #tpu.memory_space<hbm>>
      tpu.wait_dma2 semaphore(%run_scoped3A : memref<!tpu.dma_semaphore, #tpu.memory_space<semaphore_mem>>) src(%arg6 : memref<1024x64xf32, #tpu.memory_space<vmem>>) dst(%dma_wait3A_26 : memref<1024x64xf32, #tpu.memory_space<hbm>>)
      tpu.yield
    }) : () -> ()
    return
  }
}

#map = affine_map<(d0, d1) -> (0)>
#map1 = affine_map<(d0, d1) -> (0, 0)>
module attributes {stable_mosaic.version = 14 : i64} {
  func.func @_gather_body(%arg0: i32, %arg1: i32, %arg2: memref<65536xi32, #tpu.memory_space<hbm>>, %arg3: memref<2048x64xf32, #tpu.memory_space<hbm>>, %arg4: memref<65536x64xf32, #tpu.memory_space<hbm>>, %arg5: memref<1024xi32, #tpu.memory_space<vmem>>, %arg6: memref<1024x64xf32, #tpu.memory_space<vmem>>, %arg7: memref<!tpu.dma_semaphore, #tpu.memory_space<semaphore_mem>>) attributes {dimension_semantics = [#tpu.dimension_semantics<core_parallel>, #tpu.dimension_semantics<subcore_parallel>], iteration_bounds = array<i64: 2, 16>, scalar_prefetch = 0 : i64, scratch_operands = 3 : i64, tpu.core_type = #tpu.core_type<sc_vector_subcore>, window_params = [{transform_indices = #map}, {transform_indices = #map1}, {transform_indices = #map1}]} {
    %mul3A = arith.constant 2 : i32
    %mul3A_0 = arith.muli %arg1, %mul3A : i32
    %add3A = arith.addi %mul3A_0, %arg0 : i32
    %mul3A_1 = arith.constant 2048 : i32
    %mul3A_2 = arith.muli %add3A, %mul3A_1 : i32
    %add3A_3 = arith.constant 0 : i32
    %add3A_4 = arith.addi %mul3A_2, %add3A_3 : i32
    "tpu.region"() ({
      %run_scoped3A = tpu.sem_alloc : memref<!tpu.dma_semaphore, #tpu.memory_space<semaphore_mem>>
      %dma_start3A_19 = tpu.memref_slice %arg2[%add3A_4] : memref<65536xi32, #tpu.memory_space<hbm>> -> memref<1024xi32, #tpu.memory_space<hbm>>
      %dma_start3A_20 = tpu.memref_slice %arg2[%add3A_4] : memref<65536xi32, #tpu.memory_space<hbm>> -> memref<1024xi32, #tpu.memory_space<hbm>>
      tpu.enqueue_dma source(%dma_start3A_20 : memref<1024xi32, #tpu.memory_space<hbm>>) target(%arg5 : memref<1024xi32, #tpu.memory_space<vmem>>) target_semaphore(%run_scoped3A : memref<!tpu.dma_semaphore, #tpu.memory_space<semaphore_mem>>)
      %dma_wait3A_21 = tpu.memref_slice %arg2[%add3A_4] : memref<65536xi32, #tpu.memory_space<hbm>> -> memref<1024xi32, #tpu.memory_space<hbm>>
      %dma_wait3A_22 = tpu.memref_slice %arg2[%add3A_4] : memref<65536xi32, #tpu.memory_space<hbm>> -> memref<1024xi32, #tpu.memory_space<hbm>>
      tpu.wait_dma2 semaphore(%run_scoped3A : memref<!tpu.dma_semaphore, #tpu.memory_space<semaphore_mem>>) src(%dma_wait3A_22 : memref<1024xi32, #tpu.memory_space<hbm>>) dst(%arg5 : memref<1024xi32, #tpu.memory_space<vmem>>)
      tpu.yield
    }) : () -> ()
    %dma_start3A = arith.constant 0 : i32
    %dma_start3A_5 = arith.constant 0 : i32
    %dma_start3A_6 = tpu.memref_slice %arg3[%dma_start3A, %dma_start3A_5] : memref<2048x64xf32, #tpu.memory_space<hbm>> -> memref<2048x64xf32, #tpu.memory_space<hbm>>
    tpu.enqueue_indirect_dma source(%dma_start3A_6 : memref<2048x64xf32, #tpu.memory_space<hbm>>) target(%arg6 : memref<1024x64xf32, #tpu.memory_space<vmem>>) offsets(%arg5 : memref<1024xi32, #tpu.memory_space<vmem>>) semaphore(%arg7 : memref<!tpu.dma_semaphore, #tpu.memory_space<semaphore_mem>>)
    %dma_wait3A = arith.constant 0 : i32
    %dma_wait3A_7 = arith.constant 0 : i32
    %dma_wait3A_8 = tpu.memref_slice %arg3[%dma_wait3A, %dma_wait3A_7] : memref<2048x64xf32, #tpu.memory_space<hbm>> -> memref<2048x64xf32, #tpu.memory_space<hbm>>
    tpu.wait_indirect_dma semaphore(%arg7 : memref<!tpu.dma_semaphore, #tpu.memory_space<semaphore_mem>>) src(%dma_wait3A_8 : memref<2048x64xf32, #tpu.memory_space<hbm>>) dst(%arg6 : memref<1024x64xf32, #tpu.memory_space<vmem>>)
    "tpu.region"() ({
      %run_scoped3A = tpu.sem_alloc : memref<!tpu.dma_semaphore, #tpu.memory_space<semaphore_mem>>
      %dma_start3A_19 = arith.constant 0 : i32
      %dma_start3A_20 = tpu.memref_slice %arg4[%add3A_4, %dma_start3A_19] : memref<65536x64xf32, #tpu.memory_space<hbm>> -> memref<1024x64xf32, #tpu.memory_space<hbm>>
      %dma_start3A_21 = arith.constant 0 : i32
      %dma_start3A_22 = tpu.memref_slice %arg4[%add3A_4, %dma_start3A_21] : memref<65536x64xf32, #tpu.memory_space<hbm>> -> memref<1024x64xf32, #tpu.memory_space<hbm>>
      tpu.enqueue_dma source(%arg6 : memref<1024x64xf32, #tpu.memory_space<vmem>>) target(%dma_start3A_22 : memref<1024x64xf32, #tpu.memory_space<hbm>>) target_semaphore(%run_scoped3A : memref<!tpu.dma_semaphore, #tpu.memory_space<semaphore_mem>>)
      %dma_wait3A_23 = arith.constant 0 : i32
      %dma_wait3A_24 = tpu.memref_slice %arg4[%add3A_4, %dma_wait3A_23] : memref<65536x64xf32, #tpu.memory_space<hbm>> -> memref<1024x64xf32, #tpu.memory_space<hbm>>
      %dma_wait3A_25 = arith.constant 0 : i32
      %dma_wait3A_26 = tpu.memref_slice %arg4[%add3A_4, %dma_wait3A_25] : memref<65536x64xf32, #tpu.memory_space<hbm>> -> memref<1024x64xf32, #tpu.memory_space<hbm>>
      tpu.wait_dma2 semaphore(%run_scoped3A : memref<!tpu.dma_semaphore, #tpu.memory_space<semaphore_mem>>) src(%arg6 : memref<1024x64xf32, #tpu.memory_space<vmem>>) dst(%dma_wait3A_26 : memref<1024x64xf32, #tpu.memory_space<hbm>>)
      tpu.yield
    }) : () -> ()
    %mul3A_9 = arith.constant 2048 : i32
    %mul3A_10 = arith.muli %add3A, %mul3A_9 : i32
    %add3A_11 = arith.constant 1024 : i32
    %add3A_12 = arith.addi %mul3A_10, %add3A_11 : i32
    "tpu.region"() ({
      %run_scoped3A = tpu.sem_alloc : memref<!tpu.dma_semaphore, #tpu.memory_space<semaphore_mem>>
      %dma_start3A_19 = tpu.memref_slice %arg2[%add3A_12] : memref<65536xi32, #tpu.memory_space<hbm>> -> memref<1024xi32, #tpu.memory_space<hbm>>
      %dma_start3A_20 = tpu.memref_slice %arg2[%add3A_12] : memref<65536xi32, #tpu.memory_space<hbm>> -> memref<1024xi32, #tpu.memory_space<hbm>>
      tpu.enqueue_dma source(%dma_start3A_20 : memref<1024xi32, #tpu.memory_space<hbm>>) target(%arg5 : memref<1024xi32, #tpu.memory_space<vmem>>) target_semaphore(%run_scoped3A : memref<!tpu.dma_semaphore, #tpu.memory_space<semaphore_mem>>)
      %dma_wait3A_21 = tpu.memref_slice %arg2[%add3A_12] : memref<65536xi32, #tpu.memory_space<hbm>> -> memref<1024xi32, #tpu.memory_space<hbm>>
      %dma_wait3A_22 = tpu.memref_slice %arg2[%add3A_12] : memref<65536xi32, #tpu.memory_space<hbm>> -> memref<1024xi32, #tpu.memory_space<hbm>>
      tpu.wait_dma2 semaphore(%run_scoped3A : memref<!tpu.dma_semaphore, #tpu.memory_space<semaphore_mem>>) src(%dma_wait3A_22 : memref<1024xi32, #tpu.memory_space<hbm>>) dst(%arg5 : memref<1024xi32, #tpu.memory_space<vmem>>)
      tpu.yield
    }) : () -> ()
    %dma_start3A_13 = arith.constant 0 : i32
    %dma_start3A_14 = arith.constant 0 : i32
    %dma_start3A_15 = tpu.memref_slice %arg3[%dma_start3A_13, %dma_start3A_14] : memref<2048x64xf32, #tpu.memory_space<hbm>> -> memref<2048x64xf32, #tpu.memory_space<hbm>>
    tpu.enqueue_indirect_dma source(%dma_start3A_15 : memref<2048x64xf32, #tpu.memory_space<hbm>>) target(%arg6 : memref<1024x64xf32, #tpu.memory_space<vmem>>) offsets(%arg5 : memref<1024xi32, #tpu.memory_space<vmem>>) semaphore(%arg7 : memref<!tpu.dma_semaphore, #tpu.memory_space<semaphore_mem>>)
    %dma_wait3A_16 = arith.constant 0 : i32
    %dma_wait3A_17 = arith.constant 0 : i32
    %dma_wait3A_18 = tpu.memref_slice %arg3[%dma_wait3A_16, %dma_wait3A_17] : memref<2048x64xf32, #tpu.memory_space<hbm>> -> memref<2048x64xf32, #tpu.memory_space<hbm>>
    tpu.wait_indirect_dma semaphore(%arg7 : memref<!tpu.dma_semaphore, #tpu.memory_space<semaphore_mem>>) src(%dma_wait3A_18 : memref<2048x64xf32, #tpu.memory_space<hbm>>) dst(%arg6 : memref<1024x64xf32, #tpu.memory_space<vmem>>)
    "tpu.region"() ({
      %run_scoped3A = tpu.sem_alloc : memref<!tpu.dma_semaphore, #tpu.memory_space<semaphore_mem>>
      %dma_start3A_19 = arith.constant 0 : i32
      %dma_start3A_20 = tpu.memref_slice %arg4[%add3A_12, %dma_start3A_19] : memref<65536x64xf32, #tpu.memory_space<hbm>> -> memref<1024x64xf32, #tpu.memory_space<hbm>>
      %dma_start3A_21 = arith.constant 0 : i32
      %dma_start3A_22 = tpu.memref_slice %arg4[%add3A_12, %dma_start3A_21] : memref<65536x64xf32, #tpu.memory_space<hbm>> -> memref<1024x64xf32, #tpu.memory_space<hbm>>
      tpu.enqueue_dma source(%arg6 : memref<1024x64xf32, #tpu.memory_space<vmem>>) target(%dma_start3A_22 : memref<1024x64xf32, #tpu.memory_space<hbm>>) target_semaphore(%run_scoped3A : memref<!tpu.dma_semaphore, #tpu.memory_space<semaphore_mem>>)
      %dma_wait3A_23 = arith.constant 0 : i32
      %dma_wait3A_24 = tpu.memref_slice %arg4[%add3A_12, %dma_wait3A_23] : memref<65536x64xf32, #tpu.memory_space<hbm>> -> memref<1024x64xf32, #tpu.memory_space<hbm>>
      %dma_wait3A_25 = arith.constant 0 : i32
      %dma_wait3A_26 = tpu.memref_slice %arg4[%add3A_12, %dma_wait3A_25] : memref<65536x64xf32, #tpu.memory_space<hbm>> -> memref<1024x64xf32, #tpu.memory_space<hbm>>
      tpu.wait_dma2 semaphore(%run_scoped3A : memref<!tpu.dma_semaphore, #tpu.memory_space<semaphore_mem>>) src(%arg6 : memref<1024x64xf32, #tpu.memory_space<vmem>>) dst(%dma_wait3A_26 : memref<1024x64xf32, #tpu.memory_space<hbm>>)
      tpu.yield
    }) : () -> ()
    return
  }
}

module attributes {stable_mosaic.version = 14 : i64} {
  func.func @_knn_body(%arg0: i32, %arg1: memref<64x2048xf32, #tpu.memory_space<vmem>>, %arg2: memref<64x256xf32, #tpu.memory_space<vmem>>, %arg3: memref<64x128xf32, #tpu.memory_space<vmem>>, %arg4: memref<256x32xi32, #tpu.memory_space<vmem>>, %arg5: memref<256x64xf32, #tpu.memory_space<vmem>>, %arg6: memref<256x64xf32, #tpu.memory_space<vmem>>) attributes {dimension_semantics = [#tpu.dimension_semantics<arbitrary>], iteration_bounds = array<i64: 8>, scalar_prefetch = 0 : i64, scratch_operands = 0 : i64, tpu.core_type = #tpu.core_type<tc>, window_params = [{pipeline_mode = #tpu.pipeline_mode<synchronous>, transform_indices = @transform_0, window_bounds = array<i64: 64, 2048>}, {transform_indices = @transform_1, window_bounds = array<i64: 64, 256>}, {pipeline_mode = #tpu.pipeline_mode<synchronous>, transform_indices = @transform_2, window_bounds = array<i64: 64, 128>}, {transform_indices = @transform_3, window_bounds = array<i64: 256, 32>}, {transform_indices = @transform_4, window_bounds = array<i64: 256, 64>}, {transform_indices = @transform_5, window_bounds = array<i64: 256, 64>}]} {
    %get3A = arith.constant 0 : index
    %get3A_0 = arith.constant 0 : index
    %get3A_1 = vector.load %arg1[%get3A, %get3A_0] : memref<64x2048xf32, #tpu.memory_space<vmem>>, vector<64x2048xf32>
    %get3A_2 = arith.constant 0 : index
    %get3A_3 = arith.constant 0 : index
    %get3A_4 = vector.load %arg2[%get3A_2, %get3A_3] : memref<64x256xf32, #tpu.memory_space<vmem>>, vector<64x256xf32>
    %mul3A = arith.mulf %get3A_1, %get3A_1 : vector<64x2048xf32>
    %reduce_sum3A = arith.constant dense<0.000000e+00> : vector<2048xf32>
    %reduce_sum3A_5 = vector.multi_reduction <add>, %mul3A, %reduce_sum3A [0] : vector<64x2048xf32> to vector<2048xf32>
    %broadcast_in_dim3A = vector.shape_cast %reduce_sum3A_5 : vector<2048xf32> to vector<1x2048xf32>
    %dot_general3A = arith.constant dense<0.000000e+00> : vector<256x2048xf32>
    %dot_general3A_6 = tpu.matmul %get3A_4, %get3A_1, %dot_general3A {dimension_numbers = #tpu.dot_dimension_numbers<[0], [0], [1], [1], [0, 1, 1, 1], [], []>, transpose_lhs_hint = false} : vector<64x256xf32>, vector<64x2048xf32>, vector<256x2048xf32> -> vector<256x2048xf32>
    %mul3A_7 = arith.constant 2.000000e+00 : f32
    %mul3A_8 = vector.broadcast %mul3A_7 : f32 to vector<256x2048xf32>
    %mul3A_9 = arith.mulf %mul3A_8, %dot_general3A_6 : vector<256x2048xf32>
    %sub3A = vector.broadcast %broadcast_in_dim3A : vector<1x2048xf32> to vector<256x2048xf32>
    %sub3A_10 = arith.subf %mul3A_9, %sub3A : vector<256x2048xf32>
    %iota3A = tpu.iota {dimensions = array<i32: 1>} : vector<256x2048xi32>
    %reduce_max3A = arith.constant dense<0xFF800000> : vector<256xf32>
    %reduce_max3A_11 = vector.multi_reduction <maximumf>, %sub3A_10, %reduce_max3A [1] : vector<256x2048xf32> to vector<256xf32>
    %broadcast_in_dim3A_12 = vector.shape_cast %reduce_max3A_11 : vector<256xf32> to vector<256x1xf32>
    %eq3A = vector.broadcast %broadcast_in_dim3A_12 : vector<256x1xf32> to vector<256x2048xf32>
    %eq3A_13 = arith.cmpf oeq, %sub3A_10, %eq3A : vector<256x2048xf32>
    %jit3A = arith.constant 2048 : i32
    %broadcast_in_dim3A_14 = vector.broadcast %jit3A : i32 to vector<256x2048xi32>
    %select_n3A = arith.select %eq3A_13, %iota3A, %broadcast_in_dim3A_14 : vector<256x2048xi1>, vector<256x2048xi32>
    %reduce_min3A = arith.constant dense<2147483647> : vector<256xi32>
    %reduce_min3A_15 = vector.multi_reduction <minsi>, %select_n3A, %reduce_min3A [1] : vector<256x2048xi32> to vector<256xi32>
    %broadcast_in_dim3A_16 = vector.shape_cast %reduce_min3A_15 : vector<256xi32> to vector<256x1xi32>
    %jit3A_17 = arith.constant 0xFF800000 : f32
    %broadcast_in_dim3A_18 = vector.broadcast %jit3A_17 : f32 to vector<256x2048xf32>
    %select_n3A_19 = arith.select %eq3A_13, %broadcast_in_dim3A_18, %sub3A_10 : vector<256x2048xi1>, vector<256x2048xf32>
    %reduce_max3A_20 = arith.constant dense<0xFF800000> : vector<256xf32>
    %reduce_max3A_21 = vector.multi_reduction <maximumf>, %select_n3A_19, %reduce_max3A_20 [1] : vector<256x2048xf32> to vector<256xf32>
    %broadcast_in_dim3A_22 = vector.shape_cast %reduce_max3A_21 : vector<256xf32> to vector<256x1xf32>
    %eq3A_23 = vector.broadcast %broadcast_in_dim3A_22 : vector<256x1xf32> to vector<256x2048xf32>
    %eq3A_24 = arith.cmpf oeq, %select_n3A_19, %eq3A_23 : vector<256x2048xf32>
    %jit3A_25 = arith.constant 2048 : i32
    %broadcast_in_dim3A_26 = vector.broadcast %jit3A_25 : i32 to vector<256x2048xi32>
    %select_n3A_27 = arith.select %eq3A_24, %iota3A, %broadcast_in_dim3A_26 : vector<256x2048xi1>, vector<256x2048xi32>
    %reduce_min3A_28 = arith.constant dense<2147483647> : vector<256xi32>
    %reduce_min3A_29 = vector.multi_reduction <minsi>, %select_n3A_27, %reduce_min3A_28 [1] : vector<256x2048xi32> to vector<256xi32>
    %broadcast_in_dim3A_30 = vector.shape_cast %reduce_min3A_29 : vector<256xi32> to vector<256x1xi32>
    %jit3A_31 = arith.constant 0xFF800000 : f32
    %broadcast_in_dim3A_32 = vector.broadcast %jit3A_31 : f32 to vector<256x2048xf32>
    %select_n3A_33 = arith.select %eq3A_24, %broadcast_in_dim3A_32, %select_n3A_19 : vector<256x2048xi1>, vector<256x2048xf32>
    %reduce_max3A_34 = arith.constant dense<0xFF800000> : vector<256xf32>
    %reduce_max3A_35 = vector.multi_reduction <maximumf>, %select_n3A_33, %reduce_max3A_34 [1] : vector<256x2048xf32> to vector<256xf32>
    %broadcast_in_dim3A_36 = vector.shape_cast %reduce_max3A_35 : vector<256xf32> to vector<256x1xf32>
    %eq3A_37 = vector.broadcast %broadcast_in_dim3A_36 : vector<256x1xf32> to vector<256x2048xf32>
    %eq3A_38 = arith.cmpf oeq, %select_n3A_33, %eq3A_37 : vector<256x2048xf32>
    %jit3A_39 = arith.constant 2048 : i32
    %broadcast_in_dim3A_40 = vector.broadcast %jit3A_39 : i32 to vector<256x2048xi32>
    %select_n3A_41 = arith.select %eq3A_38, %iota3A, %broadcast_in_dim3A_40 : vector<256x2048xi1>, vector<256x2048xi32>
    %reduce_min3A_42 = arith.constant dense<2147483647> : vector<256xi32>
    %reduce_min3A_43 = vector.multi_reduction <minsi>, %select_n3A_41, %reduce_min3A_42 [1] : vector<256x2048xi32> to vector<256xi32>
    %broadcast_in_dim3A_44 = vector.shape_cast %reduce_min3A_43 : vector<256xi32> to vector<256x1xi32>
    %jit3A_45 = arith.constant 0xFF800000 : f32
    %broadcast_in_dim3A_46 = vector.broadcast %jit3A_45 : f32 to vector<256x2048xf32>
    %select_n3A_47 = arith.select %eq3A_38, %broadcast_in_dim3A_46, %select_n3A_33 : vector<256x2048xi1>, vector<256x2048xf32>
    %reduce_max3A_48 = arith.constant dense<0xFF800000> : vector<256xf32>
    %reduce_max3A_49 = vector.multi_reduction <maximumf>, %select_n3A_47, %reduce_max3A_48 [1] : vector<256x2048xf32> to vector<256xf32>
    %broadcast_in_dim3A_50 = vector.shape_cast %reduce_max3A_49 : vector<256xf32> to vector<256x1xf32>
    %eq3A_51 = vector.broadcast %broadcast_in_dim3A_50 : vector<256x1xf32> to vector<256x2048xf32>
    %eq3A_52 = arith.cmpf oeq, %select_n3A_47, %eq3A_51 : vector<256x2048xf32>
    %jit3A_53 = arith.constant 2048 : i32
    %broadcast_in_dim3A_54 = vector.broadcast %jit3A_53 : i32 to vector<256x2048xi32>
    %select_n3A_55 = arith.select %eq3A_52, %iota3A, %broadcast_in_dim3A_54 : vector<256x2048xi1>, vector<256x2048xi32>
    %reduce_min3A_56 = arith.constant dense<2147483647> : vector<256xi32>
    %reduce_min3A_57 = vector.multi_reduction <minsi>, %select_n3A_55, %reduce_min3A_56 [1] : vector<256x2048xi32> to vector<256xi32>
    %broadcast_in_dim3A_58 = vector.shape_cast %reduce_min3A_57 : vector<256xi32> to vector<256x1xi32>
    %jit3A_59 = arith.constant 0xFF800000 : f32
    %broadcast_in_dim3A_60 = vector.broadcast %jit3A_59 : f32 to vector<256x2048xf32>
    %select_n3A_61 = arith.select %eq3A_52, %broadcast_in_dim3A_60, %select_n3A_47 : vector<256x2048xi1>, vector<256x2048xf32>
    %reduce_max3A_62 = arith.constant dense<0xFF800000> : vector<256xf32>
    %reduce_max3A_63 = vector.multi_reduction <maximumf>, %select_n3A_61, %reduce_max3A_62 [1] : vector<256x2048xf32> to vector<256xf32>
    %broadcast_in_dim3A_64 = vector.shape_cast %reduce_max3A_63 : vector<256xf32> to vector<256x1xf32>
    %eq3A_65 = vector.broadcast %broadcast_in_dim3A_64 : vector<256x1xf32> to vector<256x2048xf32>
    %eq3A_66 = arith.cmpf oeq, %select_n3A_61, %eq3A_65 : vector<256x2048xf32>
    %jit3A_67 = arith.constant 2048 : i32
    %broadcast_in_dim3A_68 = vector.broadcast %jit3A_67 : i32 to vector<256x2048xi32>
    %select_n3A_69 = arith.select %eq3A_66, %iota3A, %broadcast_in_dim3A_68 : vector<256x2048xi1>, vector<256x2048xi32>
    %reduce_min3A_70 = arith.constant dense<2147483647> : vector<256xi32>
    %reduce_min3A_71 = vector.multi_reduction <minsi>, %select_n3A_69, %reduce_min3A_70 [1] : vector<256x2048xi32> to vector<256xi32>
    %broadcast_in_dim3A_72 = vector.shape_cast %reduce_min3A_71 : vector<256xi32> to vector<256x1xi32>
    %jit3A_73 = arith.constant 0xFF800000 : f32
    %broadcast_in_dim3A_74 = vector.broadcast %jit3A_73 : f32 to vector<256x2048xf32>
    %select_n3A_75 = arith.select %eq3A_66, %broadcast_in_dim3A_74, %select_n3A_61 : vector<256x2048xi1>, vector<256x2048xf32>
    %reduce_max3A_76 = arith.constant dense<0xFF800000> : vector<256xf32>
    %reduce_max3A_77 = vector.multi_reduction <maximumf>, %select_n3A_75, %reduce_max3A_76 [1] : vector<256x2048xf32> to vector<256xf32>
    %broadcast_in_dim3A_78 = vector.shape_cast %reduce_max3A_77 : vector<256xf32> to vector<256x1xf32>
    %eq3A_79 = vector.broadcast %broadcast_in_dim3A_78 : vector<256x1xf32> to vector<256x2048xf32>
    %eq3A_80 = arith.cmpf oeq, %select_n3A_75, %eq3A_79 : vector<256x2048xf32>
    %jit3A_81 = arith.constant 2048 : i32
    %broadcast_in_dim3A_82 = vector.broadcast %jit3A_81 : i32 to vector<256x2048xi32>
    %select_n3A_83 = arith.select %eq3A_80, %iota3A, %broadcast_in_dim3A_82 : vector<256x2048xi1>, vector<256x2048xi32>
    %reduce_min3A_84 = arith.constant dense<2147483647> : vector<256xi32>
    %reduce_min3A_85 = vector.multi_reduction <minsi>, %select_n3A_83, %reduce_min3A_84 [1] : vector<256x2048xi32> to vector<256xi32>
    %broadcast_in_dim3A_86 = vector.shape_cast %reduce_min3A_85 : vector<256xi32> to vector<256x1xi32>
    %jit3A_87 = arith.constant 0xFF800000 : f32
    %broadcast_in_dim3A_88 = vector.broadcast %jit3A_87 : f32 to vector<256x2048xf32>
    %select_n3A_89 = arith.select %eq3A_80, %broadcast_in_dim3A_88, %select_n3A_75 : vector<256x2048xi1>, vector<256x2048xf32>
    %reduce_max3A_90 = arith.constant dense<0xFF800000> : vector<256xf32>
    %reduce_max3A_91 = vector.multi_reduction <maximumf>, %select_n3A_89, %reduce_max3A_90 [1] : vector<256x2048xf32> to vector<256xf32>
    %broadcast_in_dim3A_92 = vector.shape_cast %reduce_max3A_91 : vector<256xf32> to vector<256x1xf32>
    %eq3A_93 = vector.broadcast %broadcast_in_dim3A_92 : vector<256x1xf32> to vector<256x2048xf32>
    %eq3A_94 = arith.cmpf oeq, %select_n3A_89, %eq3A_93 : vector<256x2048xf32>
    %jit3A_95 = arith.constant 2048 : i32
    %broadcast_in_dim3A_96 = vector.broadcast %jit3A_95 : i32 to vector<256x2048xi32>
    %select_n3A_97 = arith.select %eq3A_94, %iota3A, %broadcast_in_dim3A_96 : vector<256x2048xi1>, vector<256x2048xi32>
    %reduce_min3A_98 = arith.constant dense<2147483647> : vector<256xi32>
    %reduce_min3A_99 = vector.multi_reduction <minsi>, %select_n3A_97, %reduce_min3A_98 [1] : vector<256x2048xi32> to vector<256xi32>
    %broadcast_in_dim3A_100 = vector.shape_cast %reduce_min3A_99 : vector<256xi32> to vector<256x1xi32>
    %jit3A_101 = arith.constant 0xFF800000 : f32
    %broadcast_in_dim3A_102 = vector.broadcast %jit3A_101 : f32 to vector<256x2048xf32>
    %select_n3A_103 = arith.select %eq3A_94, %broadcast_in_dim3A_102, %select_n3A_89 : vector<256x2048xi1>, vector<256x2048xf32>
    %reduce_max3A_104 = arith.constant dense<0xFF800000> : vector<256xf32>
    %reduce_max3A_105 = vector.multi_reduction <maximumf>, %select_n3A_103, %reduce_max3A_104 [1] : vector<256x2048xf32> to vector<256xf32>
    %broadcast_in_dim3A_106 = vector.shape_cast %reduce_max3A_105 : vector<256xf32> to vector<256x1xf32>
    %eq3A_107 = vector.broadcast %broadcast_in_dim3A_106 : vector<256x1xf32> to vector<256x2048xf32>
    %eq3A_108 = arith.cmpf oeq, %select_n3A_103, %eq3A_107 : vector<256x2048xf32>
    %jit3A_109 = arith.constant 2048 : i32
    %broadcast_in_dim3A_110 = vector.broadcast %jit3A_109 : i32 to vector<256x2048xi32>
    %select_n3A_111 = arith.select %eq3A_108, %iota3A, %broadcast_in_dim3A_110 : vector<256x2048xi1>, vector<256x2048xi32>
    %reduce_min3A_112 = arith.constant dense<2147483647> : vector<256xi32>
    %reduce_min3A_113 = vector.multi_reduction <minsi>, %select_n3A_111, %reduce_min3A_112 [1] : vector<256x2048xi32> to vector<256xi32>
    %broadcast_in_dim3A_114 = vector.shape_cast %reduce_min3A_113 : vector<256xi32> to vector<256x1xi32>
    %jit3A_115 = arith.constant 0xFF800000 : f32
    %broadcast_in_dim3A_116 = vector.broadcast %jit3A_115 : f32 to vector<256x2048xf32>
    %select_n3A_117 = arith.select %eq3A_108, %broadcast_in_dim3A_116, %select_n3A_103 : vector<256x2048xi1>, vector<256x2048xf32>
    %reduce_max3A_118 = arith.constant dense<0xFF800000> : vector<256xf32>
    %reduce_max3A_119 = vector.multi_reduction <maximumf>, %select_n3A_117, %reduce_max3A_118 [1] : vector<256x2048xf32> to vector<256xf32>
    %broadcast_in_dim3A_120 = vector.shape_cast %reduce_max3A_119 : vector<256xf32> to vector<256x1xf32>
    %eq3A_121 = vector.broadcast %broadcast_in_dim3A_120 : vector<256x1xf32> to vector<256x2048xf32>
    %eq3A_122 = arith.cmpf oeq, %select_n3A_117, %eq3A_121 : vector<256x2048xf32>
    %jit3A_123 = arith.constant 2048 : i32
    %broadcast_in_dim3A_124 = vector.broadcast %jit3A_123 : i32 to vector<256x2048xi32>
    %select_n3A_125 = arith.select %eq3A_122, %iota3A, %broadcast_in_dim3A_124 : vector<256x2048xi1>, vector<256x2048xi32>
    %reduce_min3A_126 = arith.constant dense<2147483647> : vector<256xi32>
    %reduce_min3A_127 = vector.multi_reduction <minsi>, %select_n3A_125, %reduce_min3A_126 [1] : vector<256x2048xi32> to vector<256xi32>
    %broadcast_in_dim3A_128 = vector.shape_cast %reduce_min3A_127 : vector<256xi32> to vector<256x1xi32>
    %jit3A_129 = arith.constant 0xFF800000 : f32
    %broadcast_in_dim3A_130 = vector.broadcast %jit3A_129 : f32 to vector<256x2048xf32>
    %select_n3A_131 = arith.select %eq3A_122, %broadcast_in_dim3A_130, %select_n3A_117 : vector<256x2048xi1>, vector<256x2048xf32>
    %reduce_max3A_132 = arith.constant dense<0xFF800000> : vector<256xf32>
    %reduce_max3A_133 = vector.multi_reduction <maximumf>, %select_n3A_131, %reduce_max3A_132 [1] : vector<256x2048xf32> to vector<256xf32>
    %broadcast_in_dim3A_134 = vector.shape_cast %reduce_max3A_133 : vector<256xf32> to vector<256x1xf32>
    %eq3A_135 = vector.broadcast %broadcast_in_dim3A_134 : vector<256x1xf32> to vector<256x2048xf32>
    %eq3A_136 = arith.cmpf oeq, %select_n3A_131, %eq3A_135 : vector<256x2048xf32>
    %jit3A_137 = arith.constant 2048 : i32
    %broadcast_in_dim3A_138 = vector.broadcast %jit3A_137 : i32 to vector<256x2048xi32>
    %select_n3A_139 = arith.select %eq3A_136, %iota3A, %broadcast_in_dim3A_138 : vector<256x2048xi1>, vector<256x2048xi32>
    %reduce_min3A_140 = arith.constant dense<2147483647> : vector<256xi32>
    %reduce_min3A_141 = vector.multi_reduction <minsi>, %select_n3A_139, %reduce_min3A_140 [1] : vector<256x2048xi32> to vector<256xi32>
    %broadcast_in_dim3A_142 = vector.shape_cast %reduce_min3A_141 : vector<256xi32> to vector<256x1xi32>
    %jit3A_143 = arith.constant 0xFF800000 : f32
    %broadcast_in_dim3A_144 = vector.broadcast %jit3A_143 : f32 to vector<256x2048xf32>
    %select_n3A_145 = arith.select %eq3A_136, %broadcast_in_dim3A_144, %select_n3A_131 : vector<256x2048xi1>, vector<256x2048xf32>
    %reduce_max3A_146 = arith.constant dense<0xFF800000> : vector<256xf32>
    %reduce_max3A_147 = vector.multi_reduction <maximumf>, %select_n3A_145, %reduce_max3A_146 [1] : vector<256x2048xf32> to vector<256xf32>
    %broadcast_in_dim3A_148 = vector.shape_cast %reduce_max3A_147 : vector<256xf32> to vector<256x1xf32>
    %eq3A_149 = vector.broadcast %broadcast_in_dim3A_148 : vector<256x1xf32> to vector<256x2048xf32>
    %eq3A_150 = arith.cmpf oeq, %select_n3A_145, %eq3A_149 : vector<256x2048xf32>
    %jit3A_151 = arith.constant 2048 : i32
    %broadcast_in_dim3A_152 = vector.broadcast %jit3A_151 : i32 to vector<256x2048xi32>
    %select_n3A_153 = arith.select %eq3A_150, %iota3A, %broadcast_in_dim3A_152 : vector<256x2048xi1>, vector<256x2048xi32>
    %reduce_min3A_154 = arith.constant dense<2147483647> : vector<256xi32>
    %reduce_min3A_155 = vector.multi_reduction <minsi>, %select_n3A_153, %reduce_min3A_154 [1] : vector<256x2048xi32> to vector<256xi32>
    %broadcast_in_dim3A_156 = vector.shape_cast %reduce_min3A_155 : vector<256xi32> to vector<256x1xi32>
    %jit3A_157 = arith.constant 0xFF800000 : f32
    %broadcast_in_dim3A_158 = vector.broadcast %jit3A_157 : f32 to vector<256x2048xf32>
    %select_n3A_159 = arith.select %eq3A_150, %broadcast_in_dim3A_158, %select_n3A_145 : vector<256x2048xi1>, vector<256x2048xf32>
    %reduce_max3A_160 = arith.constant dense<0xFF800000> : vector<256xf32>
    %reduce_max3A_161 = vector.multi_reduction <maximumf>, %select_n3A_159, %reduce_max3A_160 [1] : vector<256x2048xf32> to vector<256xf32>
    %broadcast_in_dim3A_162 = vector.shape_cast %reduce_max3A_161 : vector<256xf32> to vector<256x1xf32>
    %eq3A_163 = vector.broadcast %broadcast_in_dim3A_162 : vector<256x1xf32> to vector<256x2048xf32>
    %eq3A_164 = arith.cmpf oeq, %select_n3A_159, %eq3A_163 : vector<256x2048xf32>
    %jit3A_165 = arith.constant 2048 : i32
    %broadcast_in_dim3A_166 = vector.broadcast %jit3A_165 : i32 to vector<256x2048xi32>
    %select_n3A_167 = arith.select %eq3A_164, %iota3A, %broadcast_in_dim3A_166 : vector<256x2048xi1>, vector<256x2048xi32>
    %reduce_min3A_168 = arith.constant dense<2147483647> : vector<256xi32>
    %reduce_min3A_169 = vector.multi_reduction <minsi>, %select_n3A_167, %reduce_min3A_168 [1] : vector<256x2048xi32> to vector<256xi32>
    %broadcast_in_dim3A_170 = vector.shape_cast %reduce_min3A_169 : vector<256xi32> to vector<256x1xi32>
    %jit3A_171 = arith.constant 0xFF800000 : f32
    %broadcast_in_dim3A_172 = vector.broadcast %jit3A_171 : f32 to vector<256x2048xf32>
    %select_n3A_173 = arith.select %eq3A_164, %broadcast_in_dim3A_172, %select_n3A_159 : vector<256x2048xi1>, vector<256x2048xf32>
    %reduce_max3A_174 = arith.constant dense<0xFF800000> : vector<256xf32>
    %reduce_max3A_175 = vector.multi_reduction <maximumf>, %select_n3A_173, %reduce_max3A_174 [1] : vector<256x2048xf32> to vector<256xf32>
    %broadcast_in_dim3A_176 = vector.shape_cast %reduce_max3A_175 : vector<256xf32> to vector<256x1xf32>
    %eq3A_177 = vector.broadcast %broadcast_in_dim3A_176 : vector<256x1xf32> to vector<256x2048xf32>
    %eq3A_178 = arith.cmpf oeq, %select_n3A_173, %eq3A_177 : vector<256x2048xf32>
    %jit3A_179 = arith.constant 2048 : i32
    %broadcast_in_dim3A_180 = vector.broadcast %jit3A_179 : i32 to vector<256x2048xi32>
    %select_n3A_181 = arith.select %eq3A_178, %iota3A, %broadcast_in_dim3A_180 : vector<256x2048xi1>, vector<256x2048xi32>
    %reduce_min3A_182 = arith.constant dense<2147483647> : vector<256xi32>
    %reduce_min3A_183 = vector.multi_reduction <minsi>, %select_n3A_181, %reduce_min3A_182 [1] : vector<256x2048xi32> to vector<256xi32>
    %broadcast_in_dim3A_184 = vector.shape_cast %reduce_min3A_183 : vector<256xi32> to vector<256x1xi32>
    %jit3A_185 = arith.constant 0xFF800000 : f32
    %broadcast_in_dim3A_186 = vector.broadcast %jit3A_185 : f32 to vector<256x2048xf32>
    %select_n3A_187 = arith.select %eq3A_178, %broadcast_in_dim3A_186, %select_n3A_173 : vector<256x2048xi1>, vector<256x2048xf32>
    %reduce_max3A_188 = arith.constant dense<0xFF800000> : vector<256xf32>
    %reduce_max3A_189 = vector.multi_reduction <maximumf>, %select_n3A_187, %reduce_max3A_188 [1] : vector<256x2048xf32> to vector<256xf32>
    %broadcast_in_dim3A_190 = vector.shape_cast %reduce_max3A_189 : vector<256xf32> to vector<256x1xf32>
    %eq3A_191 = vector.broadcast %broadcast_in_dim3A_190 : vector<256x1xf32> to vector<256x2048xf32>
    %eq3A_192 = arith.cmpf oeq, %select_n3A_187, %eq3A_191 : vector<256x2048xf32>
    %jit3A_193 = arith.constant 2048 : i32
    %broadcast_in_dim3A_194 = vector.broadcast %jit3A_193 : i32 to vector<256x2048xi32>
    %select_n3A_195 = arith.select %eq3A_192, %iota3A, %broadcast_in_dim3A_194 : vector<256x2048xi1>, vector<256x2048xi32>
    %reduce_min3A_196 = arith.constant dense<2147483647> : vector<256xi32>
    %reduce_min3A_197 = vector.multi_reduction <minsi>, %select_n3A_195, %reduce_min3A_196 [1] : vector<256x2048xi32> to vector<256xi32>
    %broadcast_in_dim3A_198 = vector.shape_cast %reduce_min3A_197 : vector<256xi32> to vector<256x1xi32>
    %jit3A_199 = arith.constant 0xFF800000 : f32
    %broadcast_in_dim3A_200 = vector.broadcast %jit3A_199 : f32 to vector<256x2048xf32>
    %select_n3A_201 = arith.select %eq3A_192, %broadcast_in_dim3A_200, %select_n3A_187 : vector<256x2048xi1>, vector<256x2048xf32>
    %reduce_max3A_202 = arith.constant dense<0xFF800000> : vector<256xf32>
    %reduce_max3A_203 = vector.multi_reduction <maximumf>, %select_n3A_201, %reduce_max3A_202 [1] : vector<256x2048xf32> to vector<256xf32>
    %broadcast_in_dim3A_204 = vector.shape_cast %reduce_max3A_203 : vector<256xf32> to vector<256x1xf32>
    %eq3A_205 = vector.broadcast %broadcast_in_dim3A_204 : vector<256x1xf32> to vector<256x2048xf32>
    %eq3A_206 = arith.cmpf oeq, %select_n3A_201, %eq3A_205 : vector<256x2048xf32>
    %jit3A_207 = arith.constant 2048 : i32
    %broadcast_in_dim3A_208 = vector.broadcast %jit3A_207 : i32 to vector<256x2048xi32>
    %select_n3A_209 = arith.select %eq3A_206, %iota3A, %broadcast_in_dim3A_208 : vector<256x2048xi1>, vector<256x2048xi32>
    %reduce_min3A_210 = arith.constant dense<2147483647> : vector<256xi32>
    %reduce_min3A_211 = vector.multi_reduction <minsi>, %select_n3A_209, %reduce_min3A_210 [1] : vector<256x2048xi32> to vector<256xi32>
    %broadcast_in_dim3A_212 = vector.shape_cast %reduce_min3A_211 : vector<256xi32> to vector<256x1xi32>
    %jit3A_213 = arith.constant 0xFF800000 : f32
    %broadcast_in_dim3A_214 = vector.broadcast %jit3A_213 : f32 to vector<256x2048xf32>
    %select_n3A_215 = arith.select %eq3A_206, %broadcast_in_dim3A_214, %select_n3A_201 : vector<256x2048xi1>, vector<256x2048xf32>
    %reduce_max3A_216 = arith.constant dense<0xFF800000> : vector<256xf32>
    %reduce_max3A_217 = vector.multi_reduction <maximumf>, %select_n3A_215, %reduce_max3A_216 [1] : vector<256x2048xf32> to vector<256xf32>
    %broadcast_in_dim3A_218 = vector.shape_cast %reduce_max3A_217 : vector<256xf32> to vector<256x1xf32>
    %eq3A_219 = vector.broadcast %broadcast_in_dim3A_218 : vector<256x1xf32> to vector<256x2048xf32>
    %eq3A_220 = arith.cmpf oeq, %select_n3A_215, %eq3A_219 : vector<256x2048xf32>
    %jit3A_221 = arith.constant 2048 : i32
    %broadcast_in_dim3A_222 = vector.broadcast %jit3A_221 : i32 to vector<256x2048xi32>
    %select_n3A_223 = arith.select %eq3A_220, %iota3A, %broadcast_in_dim3A_222 : vector<256x2048xi1>, vector<256x2048xi32>
    %reduce_min3A_224 = arith.constant dense<2147483647> : vector<256xi32>
    %reduce_min3A_225 = vector.multi_reduction <minsi>, %select_n3A_223, %reduce_min3A_224 [1] : vector<256x2048xi32> to vector<256xi32>
    %broadcast_in_dim3A_226 = vector.shape_cast %reduce_min3A_225 : vector<256xi32> to vector<256x1xi32>
    %jit3A_227 = arith.constant 0xFF800000 : f32
    %broadcast_in_dim3A_228 = vector.broadcast %jit3A_227 : f32 to vector<256x2048xf32>
    %select_n3A_229 = arith.select %eq3A_220, %broadcast_in_dim3A_228, %select_n3A_215 : vector<256x2048xi1>, vector<256x2048xf32>
    %reduce_max3A_230 = arith.constant dense<0xFF800000> : vector<256xf32>
    %reduce_max3A_231 = vector.multi_reduction <maximumf>, %select_n3A_229, %reduce_max3A_230 [1] : vector<256x2048xf32> to vector<256xf32>
    %broadcast_in_dim3A_232 = vector.shape_cast %reduce_max3A_231 : vector<256xf32> to vector<256x1xf32>
    %eq3A_233 = vector.broadcast %broadcast_in_dim3A_232 : vector<256x1xf32> to vector<256x2048xf32>
    %eq3A_234 = arith.cmpf oeq, %select_n3A_229, %eq3A_233 : vector<256x2048xf32>
    %jit3A_235 = arith.constant 2048 : i32
    %broadcast_in_dim3A_236 = vector.broadcast %jit3A_235 : i32 to vector<256x2048xi32>
    %select_n3A_237 = arith.select %eq3A_234, %iota3A, %broadcast_in_dim3A_236 : vector<256x2048xi1>, vector<256x2048xi32>
    %reduce_min3A_238 = arith.constant dense<2147483647> : vector<256xi32>
    %reduce_min3A_239 = vector.multi_reduction <minsi>, %select_n3A_237, %reduce_min3A_238 [1] : vector<256x2048xi32> to vector<256xi32>
    %broadcast_in_dim3A_240 = vector.shape_cast %reduce_min3A_239 : vector<256xi32> to vector<256x1xi32>
    %jit3A_241 = arith.constant 0xFF800000 : f32
    %broadcast_in_dim3A_242 = vector.broadcast %jit3A_241 : f32 to vector<256x2048xf32>
    %select_n3A_243 = arith.select %eq3A_234, %broadcast_in_dim3A_242, %select_n3A_229 : vector<256x2048xi1>, vector<256x2048xf32>
    %reduce_max3A_244 = arith.constant dense<0xFF800000> : vector<256xf32>
    %reduce_max3A_245 = vector.multi_reduction <maximumf>, %select_n3A_243, %reduce_max3A_244 [1] : vector<256x2048xf32> to vector<256xf32>
    %broadcast_in_dim3A_246 = vector.shape_cast %reduce_max3A_245 : vector<256xf32> to vector<256x1xf32>
    %eq3A_247 = vector.broadcast %broadcast_in_dim3A_246 : vector<256x1xf32> to vector<256x2048xf32>
    %eq3A_248 = arith.cmpf oeq, %select_n3A_243, %eq3A_247 : vector<256x2048xf32>
    %jit3A_249 = arith.constant 2048 : i32
    %broadcast_in_dim3A_250 = vector.broadcast %jit3A_249 : i32 to vector<256x2048xi32>
    %select_n3A_251 = arith.select %eq3A_248, %iota3A, %broadcast_in_dim3A_250 : vector<256x2048xi1>, vector<256x2048xi32>
    %reduce_min3A_252 = arith.constant dense<2147483647> : vector<256xi32>
    %reduce_min3A_253 = vector.multi_reduction <minsi>, %select_n3A_251, %reduce_min3A_252 [1] : vector<256x2048xi32> to vector<256xi32>
    %broadcast_in_dim3A_254 = vector.shape_cast %reduce_min3A_253 : vector<256xi32> to vector<256x1xi32>
    %jit3A_255 = arith.constant 0xFF800000 : f32
    %broadcast_in_dim3A_256 = vector.broadcast %jit3A_255 : f32 to vector<256x2048xf32>
    %select_n3A_257 = arith.select %eq3A_248, %broadcast_in_dim3A_256, %select_n3A_243 : vector<256x2048xi1>, vector<256x2048xf32>
    %reduce_max3A_258 = arith.constant dense<0xFF800000> : vector<256xf32>
    %reduce_max3A_259 = vector.multi_reduction <maximumf>, %select_n3A_257, %reduce_max3A_258 [1] : vector<256x2048xf32> to vector<256xf32>
    %broadcast_in_dim3A_260 = vector.shape_cast %reduce_max3A_259 : vector<256xf32> to vector<256x1xf32>
    %eq3A_261 = vector.broadcast %broadcast_in_dim3A_260 : vector<256x1xf32> to vector<256x2048xf32>
    %eq3A_262 = arith.cmpf oeq, %select_n3A_257, %eq3A_261 : vector<256x2048xf32>
    %jit3A_263 = arith.constant 2048 : i32
    %broadcast_in_dim3A_264 = vector.broadcast %jit3A_263 : i32 to vector<256x2048xi32>
    %select_n3A_265 = arith.select %eq3A_262, %iota3A, %broadcast_in_dim3A_264 : vector<256x2048xi1>, vector<256x2048xi32>
    %reduce_min3A_266 = arith.constant dense<2147483647> : vector<256xi32>
    %reduce_min3A_267 = vector.multi_reduction <minsi>, %select_n3A_265, %reduce_min3A_266 [1] : vector<256x2048xi32> to vector<256xi32>
    %broadcast_in_dim3A_268 = vector.shape_cast %reduce_min3A_267 : vector<256xi32> to vector<256x1xi32>
    %jit3A_269 = arith.constant 0xFF800000 : f32
    %broadcast_in_dim3A_270 = vector.broadcast %jit3A_269 : f32 to vector<256x2048xf32>
    %select_n3A_271 = arith.select %eq3A_262, %broadcast_in_dim3A_270, %select_n3A_257 : vector<256x2048xi1>, vector<256x2048xf32>
    %reduce_max3A_272 = arith.constant dense<0xFF800000> : vector<256xf32>
    %reduce_max3A_273 = vector.multi_reduction <maximumf>, %select_n3A_271, %reduce_max3A_272 [1] : vector<256x2048xf32> to vector<256xf32>
    %broadcast_in_dim3A_274 = vector.shape_cast %reduce_max3A_273 : vector<256xf32> to vector<256x1xf32>
    %eq3A_275 = vector.broadcast %broadcast_in_dim3A_274 : vector<256x1xf32> to vector<256x2048xf32>
    %eq3A_276 = arith.cmpf oeq, %select_n3A_271, %eq3A_275 : vector<256x2048xf32>
    %jit3A_277 = arith.constant 2048 : i32
    %broadcast_in_dim3A_278 = vector.broadcast %jit3A_277 : i32 to vector<256x2048xi32>
    %select_n3A_279 = arith.select %eq3A_276, %iota3A, %broadcast_in_dim3A_278 : vector<256x2048xi1>, vector<256x2048xi32>
    %reduce_min3A_280 = arith.constant dense<2147483647> : vector<256xi32>
    %reduce_min3A_281 = vector.multi_reduction <minsi>, %select_n3A_279, %reduce_min3A_280 [1] : vector<256x2048xi32> to vector<256xi32>
    %broadcast_in_dim3A_282 = vector.shape_cast %reduce_min3A_281 : vector<256xi32> to vector<256x1xi32>
    %jit3A_283 = arith.constant 0xFF800000 : f32
    %broadcast_in_dim3A_284 = vector.broadcast %jit3A_283 : f32 to vector<256x2048xf32>
    %select_n3A_285 = arith.select %eq3A_276, %broadcast_in_dim3A_284, %select_n3A_271 : vector<256x2048xi1>, vector<256x2048xf32>
    %reduce_max3A_286 = arith.constant dense<0xFF800000> : vector<256xf32>
    %reduce_max3A_287 = vector.multi_reduction <maximumf>, %select_n3A_285, %reduce_max3A_286 [1] : vector<256x2048xf32> to vector<256xf32>
    %broadcast_in_dim3A_288 = vector.shape_cast %reduce_max3A_287 : vector<256xf32> to vector<256x1xf32>
    %eq3A_289 = vector.broadcast %broadcast_in_dim3A_288 : vector<256x1xf32> to vector<256x2048xf32>
    %eq3A_290 = arith.cmpf oeq, %select_n3A_285, %eq3A_289 : vector<256x2048xf32>
    %jit3A_291 = arith.constant 2048 : i32
    %broadcast_in_dim3A_292 = vector.broadcast %jit3A_291 : i32 to vector<256x2048xi32>
    %select_n3A_293 = arith.select %eq3A_290, %iota3A, %broadcast_in_dim3A_292 : vector<256x2048xi1>, vector<256x2048xi32>
    %reduce_min3A_294 = arith.constant dense<2147483647> : vector<256xi32>
    %reduce_min3A_295 = vector.multi_reduction <minsi>, %select_n3A_293, %reduce_min3A_294 [1] : vector<256x2048xi32> to vector<256xi32>
    %broadcast_in_dim3A_296 = vector.shape_cast %reduce_min3A_295 : vector<256xi32> to vector<256x1xi32>
    %jit3A_297 = arith.constant 0xFF800000 : f32
    %broadcast_in_dim3A_298 = vector.broadcast %jit3A_297 : f32 to vector<256x2048xf32>
    %select_n3A_299 = arith.select %eq3A_290, %broadcast_in_dim3A_298, %select_n3A_285 : vector<256x2048xi1>, vector<256x2048xf32>
    %reduce_max3A_300 = arith.constant dense<0xFF800000> : vector<256xf32>
    %reduce_max3A_301 = vector.multi_reduction <maximumf>, %select_n3A_299, %reduce_max3A_300 [1] : vector<256x2048xf32> to vector<256xf32>
    %broadcast_in_dim3A_302 = vector.shape_cast %reduce_max3A_301 : vector<256xf32> to vector<256x1xf32>
    %eq3A_303 = vector.broadcast %broadcast_in_dim3A_302 : vector<256x1xf32> to vector<256x2048xf32>
    %eq3A_304 = arith.cmpf oeq, %select_n3A_299, %eq3A_303 : vector<256x2048xf32>
    %jit3A_305 = arith.constant 2048 : i32
    %broadcast_in_dim3A_306 = vector.broadcast %jit3A_305 : i32 to vector<256x2048xi32>
    %select_n3A_307 = arith.select %eq3A_304, %iota3A, %broadcast_in_dim3A_306 : vector<256x2048xi1>, vector<256x2048xi32>
    %reduce_min3A_308 = arith.constant dense<2147483647> : vector<256xi32>
    %reduce_min3A_309 = vector.multi_reduction <minsi>, %select_n3A_307, %reduce_min3A_308 [1] : vector<256x2048xi32> to vector<256xi32>
    %broadcast_in_dim3A_310 = vector.shape_cast %reduce_min3A_309 : vector<256xi32> to vector<256x1xi32>
    %jit3A_311 = arith.constant 0xFF800000 : f32
    %broadcast_in_dim3A_312 = vector.broadcast %jit3A_311 : f32 to vector<256x2048xf32>
    %select_n3A_313 = arith.select %eq3A_304, %broadcast_in_dim3A_312, %select_n3A_299 : vector<256x2048xi1>, vector<256x2048xf32>
    %reduce_max3A_314 = arith.constant dense<0xFF800000> : vector<256xf32>
    %reduce_max3A_315 = vector.multi_reduction <maximumf>, %select_n3A_313, %reduce_max3A_314 [1] : vector<256x2048xf32> to vector<256xf32>
    %broadcast_in_dim3A_316 = vector.shape_cast %reduce_max3A_315 : vector<256xf32> to vector<256x1xf32>
    %eq3A_317 = vector.broadcast %broadcast_in_dim3A_316 : vector<256x1xf32> to vector<256x2048xf32>
    %eq3A_318 = arith.cmpf oeq, %select_n3A_313, %eq3A_317 : vector<256x2048xf32>
    %jit3A_319 = arith.constant 2048 : i32
    %broadcast_in_dim3A_320 = vector.broadcast %jit3A_319 : i32 to vector<256x2048xi32>
    %select_n3A_321 = arith.select %eq3A_318, %iota3A, %broadcast_in_dim3A_320 : vector<256x2048xi1>, vector<256x2048xi32>
    %reduce_min3A_322 = arith.constant dense<2147483647> : vector<256xi32>
    %reduce_min3A_323 = vector.multi_reduction <minsi>, %select_n3A_321, %reduce_min3A_322 [1] : vector<256x2048xi32> to vector<256xi32>
    %broadcast_in_dim3A_324 = vector.shape_cast %reduce_min3A_323 : vector<256xi32> to vector<256x1xi32>
    %jit3A_325 = arith.constant 0xFF800000 : f32
    %broadcast_in_dim3A_326 = vector.broadcast %jit3A_325 : f32 to vector<256x2048xf32>
    %select_n3A_327 = arith.select %eq3A_318, %broadcast_in_dim3A_326, %select_n3A_313 : vector<256x2048xi1>, vector<256x2048xf32>
    %reduce_max3A_328 = arith.constant dense<0xFF800000> : vector<256xf32>
    %reduce_max3A_329 = vector.multi_reduction <maximumf>, %select_n3A_327, %reduce_max3A_328 [1] : vector<256x2048xf32> to vector<256xf32>
    %broadcast_in_dim3A_330 = vector.shape_cast %reduce_max3A_329 : vector<256xf32> to vector<256x1xf32>
    %eq3A_331 = vector.broadcast %broadcast_in_dim3A_330 : vector<256x1xf32> to vector<256x2048xf32>
    %eq3A_332 = arith.cmpf oeq, %select_n3A_327, %eq3A_331 : vector<256x2048xf32>
    %jit3A_333 = arith.constant 2048 : i32
    %broadcast_in_dim3A_334 = vector.broadcast %jit3A_333 : i32 to vector<256x2048xi32>
    %select_n3A_335 = arith.select %eq3A_332, %iota3A, %broadcast_in_dim3A_334 : vector<256x2048xi1>, vector<256x2048xi32>
    %reduce_min3A_336 = arith.constant dense<2147483647> : vector<256xi32>
    %reduce_min3A_337 = vector.multi_reduction <minsi>, %select_n3A_335, %reduce_min3A_336 [1] : vector<256x2048xi32> to vector<256xi32>
    %broadcast_in_dim3A_338 = vector.shape_cast %reduce_min3A_337 : vector<256xi32> to vector<256x1xi32>
    %jit3A_339 = arith.constant 0xFF800000 : f32
    %broadcast_in_dim3A_340 = vector.broadcast %jit3A_339 : f32 to vector<256x2048xf32>
    %select_n3A_341 = arith.select %eq3A_332, %broadcast_in_dim3A_340, %select_n3A_327 : vector<256x2048xi1>, vector<256x2048xf32>
    %reduce_max3A_342 = arith.constant dense<0xFF800000> : vector<256xf32>
    %reduce_max3A_343 = vector.multi_reduction <maximumf>, %select_n3A_341, %reduce_max3A_342 [1] : vector<256x2048xf32> to vector<256xf32>
    %broadcast_in_dim3A_344 = vector.shape_cast %reduce_max3A_343 : vector<256xf32> to vector<256x1xf32>
    %eq3A_345 = vector.broadcast %broadcast_in_dim3A_344 : vector<256x1xf32> to vector<256x2048xf32>
    %eq3A_346 = arith.cmpf oeq, %select_n3A_341, %eq3A_345 : vector<256x2048xf32>
    %jit3A_347 = arith.constant 2048 : i32
    %broadcast_in_dim3A_348 = vector.broadcast %jit3A_347 : i32 to vector<256x2048xi32>
    %select_n3A_349 = arith.select %eq3A_346, %iota3A, %broadcast_in_dim3A_348 : vector<256x2048xi1>, vector<256x2048xi32>
    %reduce_min3A_350 = arith.constant dense<2147483647> : vector<256xi32>
    %reduce_min3A_351 = vector.multi_reduction <minsi>, %select_n3A_349, %reduce_min3A_350 [1] : vector<256x2048xi32> to vector<256xi32>
    %broadcast_in_dim3A_352 = vector.shape_cast %reduce_min3A_351 : vector<256xi32> to vector<256x1xi32>
    %jit3A_353 = arith.constant 0xFF800000 : f32
    %broadcast_in_dim3A_354 = vector.broadcast %jit3A_353 : f32 to vector<256x2048xf32>
    %select_n3A_355 = arith.select %eq3A_346, %broadcast_in_dim3A_354, %select_n3A_341 : vector<256x2048xi1>, vector<256x2048xf32>
    %reduce_max3A_356 = arith.constant dense<0xFF800000> : vector<256xf32>
    %reduce_max3A_357 = vector.multi_reduction <maximumf>, %select_n3A_355, %reduce_max3A_356 [1] : vector<256x2048xf32> to vector<256xf32>
    %broadcast_in_dim3A_358 = vector.shape_cast %reduce_max3A_357 : vector<256xf32> to vector<256x1xf32>
    %eq3A_359 = vector.broadcast %broadcast_in_dim3A_358 : vector<256x1xf32> to vector<256x2048xf32>
    %eq3A_360 = arith.cmpf oeq, %select_n3A_355, %eq3A_359 : vector<256x2048xf32>
    %jit3A_361 = arith.constant 2048 : i32
    %broadcast_in_dim3A_362 = vector.broadcast %jit3A_361 : i32 to vector<256x2048xi32>
    %select_n3A_363 = arith.select %eq3A_360, %iota3A, %broadcast_in_dim3A_362 : vector<256x2048xi1>, vector<256x2048xi32>
    %reduce_min3A_364 = arith.constant dense<2147483647> : vector<256xi32>
    %reduce_min3A_365 = vector.multi_reduction <minsi>, %select_n3A_363, %reduce_min3A_364 [1] : vector<256x2048xi32> to vector<256xi32>
    %broadcast_in_dim3A_366 = vector.shape_cast %reduce_min3A_365 : vector<256xi32> to vector<256x1xi32>
    %jit3A_367 = arith.constant 0xFF800000 : f32
    %broadcast_in_dim3A_368 = vector.broadcast %jit3A_367 : f32 to vector<256x2048xf32>
    %select_n3A_369 = arith.select %eq3A_360, %broadcast_in_dim3A_368, %select_n3A_355 : vector<256x2048xi1>, vector<256x2048xf32>
    %reduce_max3A_370 = arith.constant dense<0xFF800000> : vector<256xf32>
    %reduce_max3A_371 = vector.multi_reduction <maximumf>, %select_n3A_369, %reduce_max3A_370 [1] : vector<256x2048xf32> to vector<256xf32>
    %broadcast_in_dim3A_372 = vector.shape_cast %reduce_max3A_371 : vector<256xf32> to vector<256x1xf32>
    %eq3A_373 = vector.broadcast %broadcast_in_dim3A_372 : vector<256x1xf32> to vector<256x2048xf32>
    %eq3A_374 = arith.cmpf oeq, %select_n3A_369, %eq3A_373 : vector<256x2048xf32>
    %jit3A_375 = arith.constant 2048 : i32
    %broadcast_in_dim3A_376 = vector.broadcast %jit3A_375 : i32 to vector<256x2048xi32>
    %select_n3A_377 = arith.select %eq3A_374, %iota3A, %broadcast_in_dim3A_376 : vector<256x2048xi1>, vector<256x2048xi32>
    %reduce_min3A_378 = arith.constant dense<2147483647> : vector<256xi32>
    %reduce_min3A_379 = vector.multi_reduction <minsi>, %select_n3A_377, %reduce_min3A_378 [1] : vector<256x2048xi32> to vector<256xi32>
    %broadcast_in_dim3A_380 = vector.shape_cast %reduce_min3A_379 : vector<256xi32> to vector<256x1xi32>
    %jit3A_381 = arith.constant 0xFF800000 : f32
    %broadcast_in_dim3A_382 = vector.broadcast %jit3A_381 : f32 to vector<256x2048xf32>
    %select_n3A_383 = arith.select %eq3A_374, %broadcast_in_dim3A_382, %select_n3A_369 : vector<256x2048xi1>, vector<256x2048xf32>
    %reduce_max3A_384 = arith.constant dense<0xFF800000> : vector<256xf32>
    %reduce_max3A_385 = vector.multi_reduction <maximumf>, %select_n3A_383, %reduce_max3A_384 [1] : vector<256x2048xf32> to vector<256xf32>
    %broadcast_in_dim3A_386 = vector.shape_cast %reduce_max3A_385 : vector<256xf32> to vector<256x1xf32>
    %eq3A_387 = vector.broadcast %broadcast_in_dim3A_386 : vector<256x1xf32> to vector<256x2048xf32>
    %eq3A_388 = arith.cmpf oeq, %select_n3A_383, %eq3A_387 : vector<256x2048xf32>
    %jit3A_389 = arith.constant 2048 : i32
    %broadcast_in_dim3A_390 = vector.broadcast %jit3A_389 : i32 to vector<256x2048xi32>
    %select_n3A_391 = arith.select %eq3A_388, %iota3A, %broadcast_in_dim3A_390 : vector<256x2048xi1>, vector<256x2048xi32>
    %reduce_min3A_392 = arith.constant dense<2147483647> : vector<256xi32>
    %reduce_min3A_393 = vector.multi_reduction <minsi>, %select_n3A_391, %reduce_min3A_392 [1] : vector<256x2048xi32> to vector<256xi32>
    %broadcast_in_dim3A_394 = vector.shape_cast %reduce_min3A_393 : vector<256xi32> to vector<256x1xi32>
    %jit3A_395 = arith.constant 0xFF800000 : f32
    %broadcast_in_dim3A_396 = vector.broadcast %jit3A_395 : f32 to vector<256x2048xf32>
    %select_n3A_397 = arith.select %eq3A_388, %broadcast_in_dim3A_396, %select_n3A_383 : vector<256x2048xi1>, vector<256x2048xf32>
    %reduce_max3A_398 = arith.constant dense<0xFF800000> : vector<256xf32>
    %reduce_max3A_399 = vector.multi_reduction <maximumf>, %select_n3A_397, %reduce_max3A_398 [1] : vector<256x2048xf32> to vector<256xf32>
    %broadcast_in_dim3A_400 = vector.shape_cast %reduce_max3A_399 : vector<256xf32> to vector<256x1xf32>
    %eq3A_401 = vector.broadcast %broadcast_in_dim3A_400 : vector<256x1xf32> to vector<256x2048xf32>
    %eq3A_402 = arith.cmpf oeq, %select_n3A_397, %eq3A_401 : vector<256x2048xf32>
    %jit3A_403 = arith.constant 2048 : i32
    %broadcast_in_dim3A_404 = vector.broadcast %jit3A_403 : i32 to vector<256x2048xi32>
    %select_n3A_405 = arith.select %eq3A_402, %iota3A, %broadcast_in_dim3A_404 : vector<256x2048xi1>, vector<256x2048xi32>
    %reduce_min3A_406 = arith.constant dense<2147483647> : vector<256xi32>
    %reduce_min3A_407 = vector.multi_reduction <minsi>, %select_n3A_405, %reduce_min3A_406 [1] : vector<256x2048xi32> to vector<256xi32>
    %broadcast_in_dim3A_408 = vector.shape_cast %reduce_min3A_407 : vector<256xi32> to vector<256x1xi32>
    %jit3A_409 = arith.constant 0xFF800000 : f32
    %broadcast_in_dim3A_410 = vector.broadcast %jit3A_409 : f32 to vector<256x2048xf32>
    %select_n3A_411 = arith.select %eq3A_402, %broadcast_in_dim3A_410, %select_n3A_397 : vector<256x2048xi1>, vector<256x2048xf32>
    %reduce_max3A_412 = arith.constant dense<0xFF800000> : vector<256xf32>
    %reduce_max3A_413 = vector.multi_reduction <maximumf>, %select_n3A_411, %reduce_max3A_412 [1] : vector<256x2048xf32> to vector<256xf32>
    %broadcast_in_dim3A_414 = vector.shape_cast %reduce_max3A_413 : vector<256xf32> to vector<256x1xf32>
    %eq3A_415 = vector.broadcast %broadcast_in_dim3A_414 : vector<256x1xf32> to vector<256x2048xf32>
    %eq3A_416 = arith.cmpf oeq, %select_n3A_411, %eq3A_415 : vector<256x2048xf32>
    %jit3A_417 = arith.constant 2048 : i32
    %broadcast_in_dim3A_418 = vector.broadcast %jit3A_417 : i32 to vector<256x2048xi32>
    %select_n3A_419 = arith.select %eq3A_416, %iota3A, %broadcast_in_dim3A_418 : vector<256x2048xi1>, vector<256x2048xi32>
    %reduce_min3A_420 = arith.constant dense<2147483647> : vector<256xi32>
    %reduce_min3A_421 = vector.multi_reduction <minsi>, %select_n3A_419, %reduce_min3A_420 [1] : vector<256x2048xi32> to vector<256xi32>
    %broadcast_in_dim3A_422 = vector.shape_cast %reduce_min3A_421 : vector<256xi32> to vector<256x1xi32>
    %jit3A_423 = arith.constant 0xFF800000 : f32
    %broadcast_in_dim3A_424 = vector.broadcast %jit3A_423 : f32 to vector<256x2048xf32>
    %select_n3A_425 = arith.select %eq3A_416, %broadcast_in_dim3A_424, %select_n3A_411 : vector<256x2048xi1>, vector<256x2048xf32>
    %reduce_max3A_426 = arith.constant dense<0xFF800000> : vector<256xf32>
    %reduce_max3A_427 = vector.multi_reduction <maximumf>, %select_n3A_425, %reduce_max3A_426 [1] : vector<256x2048xf32> to vector<256xf32>
    %broadcast_in_dim3A_428 = vector.shape_cast %reduce_max3A_427 : vector<256xf32> to vector<256x1xf32>
    %eq3A_429 = vector.broadcast %broadcast_in_dim3A_428 : vector<256x1xf32> to vector<256x2048xf32>
    %eq3A_430 = arith.cmpf oeq, %select_n3A_425, %eq3A_429 : vector<256x2048xf32>
    %jit3A_431 = arith.constant 2048 : i32
    %broadcast_in_dim3A_432 = vector.broadcast %jit3A_431 : i32 to vector<256x2048xi32>
    %select_n3A_433 = arith.select %eq3A_430, %iota3A, %broadcast_in_dim3A_432 : vector<256x2048xi1>, vector<256x2048xi32>
    %reduce_min3A_434 = arith.constant dense<2147483647> : vector<256xi32>
    %reduce_min3A_435 = vector.multi_reduction <minsi>, %select_n3A_433, %reduce_min3A_434 [1] : vector<256x2048xi32> to vector<256xi32>
    %broadcast_in_dim3A_436 = vector.shape_cast %reduce_min3A_435 : vector<256xi32> to vector<256x1xi32>
    %jit3A_437 = arith.constant 0xFF800000 : f32
    %broadcast_in_dim3A_438 = vector.broadcast %jit3A_437 : f32 to vector<256x2048xf32>
    %select_n3A_439 = arith.select %eq3A_430, %broadcast_in_dim3A_438, %select_n3A_425 : vector<256x2048xi1>, vector<256x2048xf32>
    %reduce_max3A_440 = arith.constant dense<0xFF800000> : vector<256xf32>
    %reduce_max3A_441 = vector.multi_reduction <maximumf>, %select_n3A_439, %reduce_max3A_440 [1] : vector<256x2048xf32> to vector<256xf32>
    %broadcast_in_dim3A_442 = vector.shape_cast %reduce_max3A_441 : vector<256xf32> to vector<256x1xf32>
    %eq3A_443 = vector.broadcast %broadcast_in_dim3A_442 : vector<256x1xf32> to vector<256x2048xf32>
    %eq3A_444 = arith.cmpf oeq, %select_n3A_439, %eq3A_443 : vector<256x2048xf32>
    %jit3A_445 = arith.constant 2048 : i32
    %broadcast_in_dim3A_446 = vector.broadcast %jit3A_445 : i32 to vector<256x2048xi32>
    %select_n3A_447 = arith.select %eq3A_444, %iota3A, %broadcast_in_dim3A_446 : vector<256x2048xi1>, vector<256x2048xi32>
    %reduce_min3A_448 = arith.constant dense<2147483647> : vector<256xi32>
    %reduce_min3A_449 = vector.multi_reduction <minsi>, %select_n3A_447, %reduce_min3A_448 [1] : vector<256x2048xi32> to vector<256xi32>
    %broadcast_in_dim3A_450 = vector.shape_cast %reduce_min3A_449 : vector<256xi32> to vector<256x1xi32>
    %concatenate3A = tpu.concatenate %broadcast_in_dim3A_16, %broadcast_in_dim3A_30, %broadcast_in_dim3A_44, %broadcast_in_dim3A_58, %broadcast_in_dim3A_72, %broadcast_in_dim3A_86, %broadcast_in_dim3A_100, %broadcast_in_dim3A_114, %broadcast_in_dim3A_128, %broadcast_in_dim3A_142, %broadcast_in_dim3A_156, %broadcast_in_dim3A_170, %broadcast_in_dim3A_184, %broadcast_in_dim3A_198, %broadcast_in_dim3A_212, %broadcast_in_dim3A_226, %broadcast_in_dim3A_240, %broadcast_in_dim3A_254, %broadcast_in_dim3A_268, %broadcast_in_dim3A_282, %broadcast_in_dim3A_296, %broadcast_in_dim3A_310, %broadcast_in_dim3A_324, %broadcast_in_dim3A_338, %broadcast_in_dim3A_352, %broadcast_in_dim3A_366, %broadcast_in_dim3A_380, %broadcast_in_dim3A_394, %broadcast_in_dim3A_408, %broadcast_in_dim3A_422, %broadcast_in_dim3A_436, %broadcast_in_dim3A_450 in 1 : vector<256x1xi32>, vector<256x1xi32>, vector<256x1xi32>, vector<256x1xi32>, vector<256x1xi32>, vector<256x1xi32>, vector<256x1xi32>, vector<256x1xi32>, vector<256x1xi32>, vector<256x1xi32>, vector<256x1xi32>, vector<256x1xi32>, vector<256x1xi32>, vector<256x1xi32>, vector<256x1xi32>, vector<256x1xi32>, vector<256x1xi32>, vector<256x1xi32>, vector<256x1xi32>, vector<256x1xi32>, vector<256x1xi32>, vector<256x1xi32>, vector<256x1xi32>, vector<256x1xi32>, vector<256x1xi32>, vector<256x1xi32>, vector<256x1xi32>, vector<256x1xi32>, vector<256x1xi32>, vector<256x1xi32>, vector<256x1xi32>, vector<256x1xi32> -> vector<256x32xi32>
    %swap3A = arith.constant 0 : index
    %swap3A_451 = arith.constant 0 : index
    %swap3A_452 = vector.load %arg4[%swap3A, %swap3A_451] : memref<256x32xi32, #tpu.memory_space<vmem>>, vector<256x32xi32>
    tpu.vector_store %arg4[%swap3A, %swap3A_451], %concatenate3A {strides = array<i32>} : memref<256x32xi32, #tpu.memory_space<vmem>>, vector<256x32xi32>,
    %get3A_453 = arith.constant 0 : index
    %get3A_454 = arith.constant 0 : index
    %get3A_455 = vector.load %arg3[%get3A_453, %get3A_454] : memref<64x128xf32, #tpu.memory_space<vmem>>, vector<64x128xf32>
    %slice3A = vector.extract_strided_slice %get3A_455 {offsets = [0, 0], sizes = [64, 64], strides = [1, 1]} : vector<64x128xf32> to vector<64x64xf32>
    %slice3A_456 = vector.extract_strided_slice %get3A_455 {offsets = [0, 64], sizes = [64, 64], strides = [1, 1]} : vector<64x128xf32> to vector<64x64xf32>
    %sub3A_457 = arith.subf %slice3A, %slice3A_456 : vector<64x64xf32>
    %dot_general3A_458 = arith.constant dense<0.000000e+00> : vector<256x64xf32>
    %dot_general3A_459 = tpu.matmul %get3A_4, %sub3A_457, %dot_general3A_458 {dimension_numbers = #tpu.dot_dimension_numbers<[0], [1], [1], [0], [0, 1, 1, 0], [], []>, transpose_lhs_hint = false} : vector<64x256xf32>, vector<64x64xf32>, vector<256x64xf32> -> vector<256x64xf32>
    %swap3A_460 = arith.constant 0 : index
    %swap3A_461 = arith.constant 0 : index
    %swap3A_462 = vector.load %arg5[%swap3A_460, %swap3A_461] : memref<256x64xf32, #tpu.memory_space<vmem>>, vector<256x64xf32>
    tpu.vector_store %arg5[%swap3A_460, %swap3A_461], %dot_general3A_459 {strides = array<i32>} : memref<256x64xf32, #tpu.memory_space<vmem>>, vector<256x64xf32>,
    %dot_general3A_463 = arith.constant dense<0.000000e+00> : vector<256x64xf32>
    %dot_general3A_464 = tpu.matmul %get3A_4, %slice3A_456, %dot_general3A_463 {dimension_numbers = #tpu.dot_dimension_numbers<[0], [1], [1], [0], [0, 1, 1, 0], [], []>, transpose_lhs_hint = false} : vector<64x256xf32>, vector<64x64xf32>, vector<256x64xf32> -> vector<256x64xf32>
    %swap3A_465 = arith.constant 0 : index
    %swap3A_466 = arith.constant 0 : index
    %swap3A_467 = vector.load %arg6[%swap3A_465, %swap3A_466] : memref<256x64xf32, #tpu.memory_space<vmem>>, vector<256x64xf32>
    tpu.vector_store %arg6[%swap3A_465, %swap3A_466], %dot_general3A_464 {strides = array<i32>} : memref<256x64xf32, #tpu.memory_space<vmem>>, vector<256x64xf32>,
    return
  }
  func.func @transform_0(%arg0: i32) -> (i32, i32) {
    %c0_i32 = arith.constant 0 : i32
    %c0_i32_0 = arith.constant 0 : i32
    %c0_i32_1 = arith.constant 0 : i32
    return %c0_i32, %c0_i32_0 : i32, i32
  }
  func.func @transform_1(%arg0: i32) -> (i32, i32) {
    %c0_i32 = arith.constant 0 : i32
    %c0_i32_0 = arith.constant 0 : i32
    return %c0_i32, %arg0 : i32, i32
  }
  func.func @transform_2(%arg0: i32) -> (i32, i32) {
    %c0_i32 = arith.constant 0 : i32
    %c0_i32_0 = arith.constant 0 : i32
    %c0_i32_1 = arith.constant 0 : i32
    return %c0_i32, %c0_i32_0 : i32, i32
  }
  func.func @transform_3(%arg0: i32) -> (i32, i32) {
    %c0_i32 = arith.constant 0 : i32
    %c0_i32_0 = arith.constant 0 : i32
    return %arg0, %c0_i32 : i32, i32
  }
  func.func @transform_4(%arg0: i32) -> (i32, i32) {
    %c0_i32 = arith.constant 0 : i32
    %c0_i32_0 = arith.constant 0 : i32
    return %arg0, %c0_i32 : i32, i32
  }
  func.func @transform_5(%arg0: i32) -> (i32, i32) {
    %c0_i32 = arith.constant 0 : i32
    %c0_i32_0 = arith.constant 0 : i32
    return %arg0, %c0_i32 : i32, i32
  }
}

module attributes {stable_mosaic.version = 14 : i64} {
  func.func @_reduce_body(%arg0: i32, %arg1: memref<256x2048xf32, #tpu.memory_space<vmem>>, %arg2: memref<256x64xf32, #tpu.memory_space<vmem>>, %arg3: memref<1x64xf32, #tpu.memory_space<vmem>>, %arg4: memref<256x64xf32, #tpu.memory_space<vmem>>, %arg5: memref<256x64xf32, #tpu.memory_space<vmem>>, %arg6: memref<1x1x64xf32, #tpu.memory_space<vmem>>, %arg7: memref<1x1x64xf32, #tpu.memory_space<vmem>>) attributes {dimension_semantics = [#tpu.dimension_semantics<arbitrary>], iteration_bounds = array<i64: 8>, scalar_prefetch = 0 : i64, scratch_operands = 0 : i64, tpu.core_type = #tpu.core_type<tc>, window_params = [{transform_indices = @transform_0, window_bounds = array<i64: 256, 2048>}, {transform_indices = @transform_1, window_bounds = array<i64: 256, 64>}, {pipeline_mode = #tpu.pipeline_mode<synchronous>, transform_indices = @transform_2, window_bounds = array<i64: 1, 64>}, {transform_indices = @transform_3, window_bounds = array<i64: 256, 64>}, {transform_indices = @transform_4, window_bounds = array<i64: 256, 64>}, {transform_indices = @transform_5, window_bounds = array<i64: 1, 1, 64>}, {transform_indices = @transform_6, window_bounds = array<i64: 1, 1, 64>}]} {
    %get3A = arith.constant 0 : index
    %get3A_0 = arith.constant 0 : index
    %get3A_1 = vector.load %arg1[%get3A, %get3A_0] : memref<256x2048xf32, #tpu.memory_space<vmem>>, vector<256x2048xf32>
    %get3A_2 = arith.constant 0 : index
    %get3A_3 = arith.constant 0 : index
    %get3A_4 = vector.load %arg2[%get3A_2, %get3A_3] : memref<256x64xf32, #tpu.memory_space<vmem>>, vector<256x64xf32>
    %get3A_5 = arith.constant 0 : index
    %get3A_6 = arith.constant 0 : index
    %get3A_7 = vector.load %arg3[%get3A_5, %get3A_6] : memref<1x64xf32, #tpu.memory_space<vmem>>, vector<1x64xf32>
    %slice3A = vector.extract_strided_slice %get3A_1 {offsets = [0, 0], sizes = [256, 64], strides = [1, 1]} : vector<256x2048xf32> to vector<256x64xf32>
    %mul3A = arith.mulf %slice3A, %slice3A : vector<256x64xf32>
    %slice3A_8 = vector.extract_strided_slice %get3A_1 {offsets = [0, 64], sizes = [256, 64], strides = [1, 1]} : vector<256x2048xf32> to vector<256x64xf32>
    %max3A = arith.maximumf %slice3A, %slice3A_8 : vector<256x64xf32>
    %min3A = arith.minimumf %slice3A, %slice3A_8 : vector<256x64xf32>
    %add3A = arith.addf %slice3A, %slice3A_8 : vector<256x64xf32>
    %mul3A_9 = arith.mulf %slice3A_8, %slice3A_8 : vector<256x64xf32>
    %add3A_10 = arith.addf %mul3A, %mul3A_9 : vector<256x64xf32>
    %slice3A_11 = vector.extract_strided_slice %get3A_1 {offsets = [0, 128], sizes = [256, 64], strides = [1, 1]} : vector<256x2048xf32> to vector<256x64xf32>
    %max3A_12 = arith.maximumf %max3A, %slice3A_11 : vector<256x64xf32>
    %min3A_13 = arith.minimumf %min3A, %slice3A_11 : vector<256x64xf32>
    %add3A_14 = arith.addf %add3A, %slice3A_11 : vector<256x64xf32>
    %mul3A_15 = arith.mulf %slice3A_11, %slice3A_11 : vector<256x64xf32>
    %add3A_16 = arith.addf %add3A_10, %mul3A_15 : vector<256x64xf32>
    %slice3A_17 = vector.extract_strided_slice %get3A_1 {offsets = [0, 192], sizes = [256, 64], strides = [1, 1]} : vector<256x2048xf32> to vector<256x64xf32>
    %max3A_18 = arith.maximumf %max3A_12, %slice3A_17 : vector<256x64xf32>
    %min3A_19 = arith.minimumf %min3A_13, %slice3A_17 : vector<256x64xf32>
    %add3A_20 = arith.addf %add3A_14, %slice3A_17 : vector<256x64xf32>
    %mul3A_21 = arith.mulf %slice3A_17, %slice3A_17 : vector<256x64xf32>
    %add3A_22 = arith.addf %add3A_16, %mul3A_21 : vector<256x64xf32>
    %slice3A_23 = vector.extract_strided_slice %get3A_1 {offsets = [0, 256], sizes = [256, 64], strides = [1, 1]} : vector<256x2048xf32> to vector<256x64xf32>
    %max3A_24 = arith.maximumf %max3A_18, %slice3A_23 : vector<256x64xf32>
    %min3A_25 = arith.minimumf %min3A_19, %slice3A_23 : vector<256x64xf32>
    %add3A_26 = arith.addf %add3A_20, %slice3A_23 : vector<256x64xf32>
    %mul3A_27 = arith.mulf %slice3A_23, %slice3A_23 : vector<256x64xf32>
    %add3A_28 = arith.addf %add3A_22, %mul3A_27 : vector<256x64xf32>
    %slice3A_29 = vector.extract_strided_slice %get3A_1 {offsets = [0, 320], sizes = [256, 64], strides = [1, 1]} : vector<256x2048xf32> to vector<256x64xf32>
    %max3A_30 = arith.maximumf %max3A_24, %slice3A_29 : vector<256x64xf32>
    %min3A_31 = arith.minimumf %min3A_25, %slice3A_29 : vector<256x64xf32>
    %add3A_32 = arith.addf %add3A_26, %slice3A_29 : vector<256x64xf32>
    %mul3A_33 = arith.mulf %slice3A_29, %slice3A_29 : vector<256x64xf32>
    %add3A_34 = arith.addf %add3A_28, %mul3A_33 : vector<256x64xf32>
    %slice3A_35 = vector.extract_strided_slice %get3A_1 {offsets = [0, 384], sizes = [256, 64], strides = [1, 1]} : vector<256x2048xf32> to vector<256x64xf32>
    %max3A_36 = arith.maximumf %max3A_30, %slice3A_35 : vector<256x64xf32>
    %min3A_37 = arith.minimumf %min3A_31, %slice3A_35 : vector<256x64xf32>
    %add3A_38 = arith.addf %add3A_32, %slice3A_35 : vector<256x64xf32>
    %mul3A_39 = arith.mulf %slice3A_35, %slice3A_35 : vector<256x64xf32>
    %add3A_40 = arith.addf %add3A_34, %mul3A_39 : vector<256x64xf32>
    %slice3A_41 = vector.extract_strided_slice %get3A_1 {offsets = [0, 448], sizes = [256, 64], strides = [1, 1]} : vector<256x2048xf32> to vector<256x64xf32>
    %max3A_42 = arith.maximumf %max3A_36, %slice3A_41 : vector<256x64xf32>
    %min3A_43 = arith.minimumf %min3A_37, %slice3A_41 : vector<256x64xf32>
    %add3A_44 = arith.addf %add3A_38, %slice3A_41 : vector<256x64xf32>
    %mul3A_45 = arith.mulf %slice3A_41, %slice3A_41 : vector<256x64xf32>
    %add3A_46 = arith.addf %add3A_40, %mul3A_45 : vector<256x64xf32>
    %slice3A_47 = vector.extract_strided_slice %get3A_1 {offsets = [0, 512], sizes = [256, 64], strides = [1, 1]} : vector<256x2048xf32> to vector<256x64xf32>
    %max3A_48 = arith.maximumf %max3A_42, %slice3A_47 : vector<256x64xf32>
    %min3A_49 = arith.minimumf %min3A_43, %slice3A_47 : vector<256x64xf32>
    %add3A_50 = arith.addf %add3A_44, %slice3A_47 : vector<256x64xf32>
    %mul3A_51 = arith.mulf %slice3A_47, %slice3A_47 : vector<256x64xf32>
    %add3A_52 = arith.addf %add3A_46, %mul3A_51 : vector<256x64xf32>
    %slice3A_53 = vector.extract_strided_slice %get3A_1 {offsets = [0, 576], sizes = [256, 64], strides = [1, 1]} : vector<256x2048xf32> to vector<256x64xf32>
    %max3A_54 = arith.maximumf %max3A_48, %slice3A_53 : vector<256x64xf32>
    %min3A_55 = arith.minimumf %min3A_49, %slice3A_53 : vector<256x64xf32>
    %add3A_56 = arith.addf %add3A_50, %slice3A_53 : vector<256x64xf32>
    %mul3A_57 = arith.mulf %slice3A_53, %slice3A_53 : vector<256x64xf32>
    %add3A_58 = arith.addf %add3A_52, %mul3A_57 : vector<256x64xf32>
    %slice3A_59 = vector.extract_strided_slice %get3A_1 {offsets = [0, 640], sizes = [256, 64], strides = [1, 1]} : vector<256x2048xf32> to vector<256x64xf32>
    %max3A_60 = arith.maximumf %max3A_54, %slice3A_59 : vector<256x64xf32>
    %min3A_61 = arith.minimumf %min3A_55, %slice3A_59 : vector<256x64xf32>
    %add3A_62 = arith.addf %add3A_56, %slice3A_59 : vector<256x64xf32>
    %mul3A_63 = arith.mulf %slice3A_59, %slice3A_59 : vector<256x64xf32>
    %add3A_64 = arith.addf %add3A_58, %mul3A_63 : vector<256x64xf32>
    %slice3A_65 = vector.extract_strided_slice %get3A_1 {offsets = [0, 704], sizes = [256, 64], strides = [1, 1]} : vector<256x2048xf32> to vector<256x64xf32>
    %max3A_66 = arith.maximumf %max3A_60, %slice3A_65 : vector<256x64xf32>
    %min3A_67 = arith.minimumf %min3A_61, %slice3A_65 : vector<256x64xf32>
    %add3A_68 = arith.addf %add3A_62, %slice3A_65 : vector<256x64xf32>
    %mul3A_69 = arith.mulf %slice3A_65, %slice3A_65 : vector<256x64xf32>
    %add3A_70 = arith.addf %add3A_64, %mul3A_69 : vector<256x64xf32>
    %slice3A_71 = vector.extract_strided_slice %get3A_1 {offsets = [0, 768], sizes = [256, 64], strides = [1, 1]} : vector<256x2048xf32> to vector<256x64xf32>
    %max3A_72 = arith.maximumf %max3A_66, %slice3A_71 : vector<256x64xf32>
    %min3A_73 = arith.minimumf %min3A_67, %slice3A_71 : vector<256x64xf32>
    %add3A_74 = arith.addf %add3A_68, %slice3A_71 : vector<256x64xf32>
    %mul3A_75 = arith.mulf %slice3A_71, %slice3A_71 : vector<256x64xf32>
    %add3A_76 = arith.addf %add3A_70, %mul3A_75 : vector<256x64xf32>
    %slice3A_77 = vector.extract_strided_slice %get3A_1 {offsets = [0, 832], sizes = [256, 64], strides = [1, 1]} : vector<256x2048xf32> to vector<256x64xf32>
    %max3A_78 = arith.maximumf %max3A_72, %slice3A_77 : vector<256x64xf32>
    %min3A_79 = arith.minimumf %min3A_73, %slice3A_77 : vector<256x64xf32>
    %add3A_80 = arith.addf %add3A_74, %slice3A_77 : vector<256x64xf32>
    %mul3A_81 = arith.mulf %slice3A_77, %slice3A_77 : vector<256x64xf32>
    %add3A_82 = arith.addf %add3A_76, %mul3A_81 : vector<256x64xf32>
    %slice3A_83 = vector.extract_strided_slice %get3A_1 {offsets = [0, 896], sizes = [256, 64], strides = [1, 1]} : vector<256x2048xf32> to vector<256x64xf32>
    %max3A_84 = arith.maximumf %max3A_78, %slice3A_83 : vector<256x64xf32>
    %min3A_85 = arith.minimumf %min3A_79, %slice3A_83 : vector<256x64xf32>
    %add3A_86 = arith.addf %add3A_80, %slice3A_83 : vector<256x64xf32>
    %mul3A_87 = arith.mulf %slice3A_83, %slice3A_83 : vector<256x64xf32>
    %add3A_88 = arith.addf %add3A_82, %mul3A_87 : vector<256x64xf32>
    %slice3A_89 = vector.extract_strided_slice %get3A_1 {offsets = [0, 960], sizes = [256, 64], strides = [1, 1]} : vector<256x2048xf32> to vector<256x64xf32>
    %max3A_90 = arith.maximumf %max3A_84, %slice3A_89 : vector<256x64xf32>
    %min3A_91 = arith.minimumf %min3A_85, %slice3A_89 : vector<256x64xf32>
    %add3A_92 = arith.addf %add3A_86, %slice3A_89 : vector<256x64xf32>
    %mul3A_93 = arith.mulf %slice3A_89, %slice3A_89 : vector<256x64xf32>
    %add3A_94 = arith.addf %add3A_88, %mul3A_93 : vector<256x64xf32>
    %slice3A_95 = vector.extract_strided_slice %get3A_1 {offsets = [0, 1024], sizes = [256, 64], strides = [1, 1]} : vector<256x2048xf32> to vector<256x64xf32>
    %max3A_96 = arith.maximumf %max3A_90, %slice3A_95 : vector<256x64xf32>
    %min3A_97 = arith.minimumf %min3A_91, %slice3A_95 : vector<256x64xf32>
    %add3A_98 = arith.addf %add3A_92, %slice3A_95 : vector<256x64xf32>
    %mul3A_99 = arith.mulf %slice3A_95, %slice3A_95 : vector<256x64xf32>
    %add3A_100 = arith.addf %add3A_94, %mul3A_99 : vector<256x64xf32>
    %slice3A_101 = vector.extract_strided_slice %get3A_1 {offsets = [0, 1088], sizes = [256, 64], strides = [1, 1]} : vector<256x2048xf32> to vector<256x64xf32>
    %max3A_102 = arith.maximumf %max3A_96, %slice3A_101 : vector<256x64xf32>
    %min3A_103 = arith.minimumf %min3A_97, %slice3A_101 : vector<256x64xf32>
    %add3A_104 = arith.addf %add3A_98, %slice3A_101 : vector<256x64xf32>
    %mul3A_105 = arith.mulf %slice3A_101, %slice3A_101 : vector<256x64xf32>
    %add3A_106 = arith.addf %add3A_100, %mul3A_105 : vector<256x64xf32>
    %slice3A_107 = vector.extract_strided_slice %get3A_1 {offsets = [0, 1152], sizes = [256, 64], strides = [1, 1]} : vector<256x2048xf32> to vector<256x64xf32>
    %max3A_108 = arith.maximumf %max3A_102, %slice3A_107 : vector<256x64xf32>
    %min3A_109 = arith.minimumf %min3A_103, %slice3A_107 : vector<256x64xf32>
    %add3A_110 = arith.addf %add3A_104, %slice3A_107 : vector<256x64xf32>
    %mul3A_111 = arith.mulf %slice3A_107, %slice3A_107 : vector<256x64xf32>
    %add3A_112 = arith.addf %add3A_106, %mul3A_111 : vector<256x64xf32>
    %slice3A_113 = vector.extract_strided_slice %get3A_1 {offsets = [0, 1216], sizes = [256, 64], strides = [1, 1]} : vector<256x2048xf32> to vector<256x64xf32>
    %max3A_114 = arith.maximumf %max3A_108, %slice3A_113 : vector<256x64xf32>
    %min3A_115 = arith.minimumf %min3A_109, %slice3A_113 : vector<256x64xf32>
    %add3A_116 = arith.addf %add3A_110, %slice3A_113 : vector<256x64xf32>
    %mul3A_117 = arith.mulf %slice3A_113, %slice3A_113 : vector<256x64xf32>
    %add3A_118 = arith.addf %add3A_112, %mul3A_117 : vector<256x64xf32>
    %slice3A_119 = vector.extract_strided_slice %get3A_1 {offsets = [0, 1280], sizes = [256, 64], strides = [1, 1]} : vector<256x2048xf32> to vector<256x64xf32>
    %max3A_120 = arith.maximumf %max3A_114, %slice3A_119 : vector<256x64xf32>
    %min3A_121 = arith.minimumf %min3A_115, %slice3A_119 : vector<256x64xf32>
    %add3A_122 = arith.addf %add3A_116, %slice3A_119 : vector<256x64xf32>
    %mul3A_123 = arith.mulf %slice3A_119, %slice3A_119 : vector<256x64xf32>
    %add3A_124 = arith.addf %add3A_118, %mul3A_123 : vector<256x64xf32>
    %slice3A_125 = vector.extract_strided_slice %get3A_1 {offsets = [0, 1344], sizes = [256, 64], strides = [1, 1]} : vector<256x2048xf32> to vector<256x64xf32>
    %max3A_126 = arith.maximumf %max3A_120, %slice3A_125 : vector<256x64xf32>
    %min3A_127 = arith.minimumf %min3A_121, %slice3A_125 : vector<256x64xf32>
    %add3A_128 = arith.addf %add3A_122, %slice3A_125 : vector<256x64xf32>
    %mul3A_129 = arith.mulf %slice3A_125, %slice3A_125 : vector<256x64xf32>
    %add3A_130 = arith.addf %add3A_124, %mul3A_129 : vector<256x64xf32>
    %slice3A_131 = vector.extract_strided_slice %get3A_1 {offsets = [0, 1408], sizes = [256, 64], strides = [1, 1]} : vector<256x2048xf32> to vector<256x64xf32>
    %max3A_132 = arith.maximumf %max3A_126, %slice3A_131 : vector<256x64xf32>
    %min3A_133 = arith.minimumf %min3A_127, %slice3A_131 : vector<256x64xf32>
    %add3A_134 = arith.addf %add3A_128, %slice3A_131 : vector<256x64xf32>
    %mul3A_135 = arith.mulf %slice3A_131, %slice3A_131 : vector<256x64xf32>
    %add3A_136 = arith.addf %add3A_130, %mul3A_135 : vector<256x64xf32>
    %slice3A_137 = vector.extract_strided_slice %get3A_1 {offsets = [0, 1472], sizes = [256, 64], strides = [1, 1]} : vector<256x2048xf32> to vector<256x64xf32>
    %max3A_138 = arith.maximumf %max3A_132, %slice3A_137 : vector<256x64xf32>
    %min3A_139 = arith.minimumf %min3A_133, %slice3A_137 : vector<256x64xf32>
    %add3A_140 = arith.addf %add3A_134, %slice3A_137 : vector<256x64xf32>
    %mul3A_141 = arith.mulf %slice3A_137, %slice3A_137 : vector<256x64xf32>
    %add3A_142 = arith.addf %add3A_136, %mul3A_141 : vector<256x64xf32>
    %slice3A_143 = vector.extract_strided_slice %get3A_1 {offsets = [0, 1536], sizes = [256, 64], strides = [1, 1]} : vector<256x2048xf32> to vector<256x64xf32>
    %max3A_144 = arith.maximumf %max3A_138, %slice3A_143 : vector<256x64xf32>
    %min3A_145 = arith.minimumf %min3A_139, %slice3A_143 : vector<256x64xf32>
    %add3A_146 = arith.addf %add3A_140, %slice3A_143 : vector<256x64xf32>
    %mul3A_147 = arith.mulf %slice3A_143, %slice3A_143 : vector<256x64xf32>
    %add3A_148 = arith.addf %add3A_142, %mul3A_147 : vector<256x64xf32>
    %slice3A_149 = vector.extract_strided_slice %get3A_1 {offsets = [0, 1600], sizes = [256, 64], strides = [1, 1]} : vector<256x2048xf32> to vector<256x64xf32>
    %max3A_150 = arith.maximumf %max3A_144, %slice3A_149 : vector<256x64xf32>
    %min3A_151 = arith.minimumf %min3A_145, %slice3A_149 : vector<256x64xf32>
    %add3A_152 = arith.addf %add3A_146, %slice3A_149 : vector<256x64xf32>
    %mul3A_153 = arith.mulf %slice3A_149, %slice3A_149 : vector<256x64xf32>
    %add3A_154 = arith.addf %add3A_148, %mul3A_153 : vector<256x64xf32>
    %slice3A_155 = vector.extract_strided_slice %get3A_1 {offsets = [0, 1664], sizes = [256, 64], strides = [1, 1]} : vector<256x2048xf32> to vector<256x64xf32>
    %max3A_156 = arith.maximumf %max3A_150, %slice3A_155 : vector<256x64xf32>
    %min3A_157 = arith.minimumf %min3A_151, %slice3A_155 : vector<256x64xf32>
    %add3A_158 = arith.addf %add3A_152, %slice3A_155 : vector<256x64xf32>
    %mul3A_159 = arith.mulf %slice3A_155, %slice3A_155 : vector<256x64xf32>
    %add3A_160 = arith.addf %add3A_154, %mul3A_159 : vector<256x64xf32>
    %slice3A_161 = vector.extract_strided_slice %get3A_1 {offsets = [0, 1728], sizes = [256, 64], strides = [1, 1]} : vector<256x2048xf32> to vector<256x64xf32>
    %max3A_162 = arith.maximumf %max3A_156, %slice3A_161 : vector<256x64xf32>
    %min3A_163 = arith.minimumf %min3A_157, %slice3A_161 : vector<256x64xf32>
    %add3A_164 = arith.addf %add3A_158, %slice3A_161 : vector<256x64xf32>
    %mul3A_165 = arith.mulf %slice3A_161, %slice3A_161 : vector<256x64xf32>
    %add3A_166 = arith.addf %add3A_160, %mul3A_165 : vector<256x64xf32>
    %slice3A_167 = vector.extract_strided_slice %get3A_1 {offsets = [0, 1792], sizes = [256, 64], strides = [1, 1]} : vector<256x2048xf32> to vector<256x64xf32>
    %max3A_168 = arith.maximumf %max3A_162, %slice3A_167 : vector<256x64xf32>
    %min3A_169 = arith.minimumf %min3A_163, %slice3A_167 : vector<256x64xf32>
    %add3A_170 = arith.addf %add3A_164, %slice3A_167 : vector<256x64xf32>
    %mul3A_171 = arith.mulf %slice3A_167, %slice3A_167 : vector<256x64xf32>
    %add3A_172 = arith.addf %add3A_166, %mul3A_171 : vector<256x64xf32>
    %slice3A_173 = vector.extract_strided_slice %get3A_1 {offsets = [0, 1856], sizes = [256, 64], strides = [1, 1]} : vector<256x2048xf32> to vector<256x64xf32>
    %max3A_174 = arith.maximumf %max3A_168, %slice3A_173 : vector<256x64xf32>
    %min3A_175 = arith.minimumf %min3A_169, %slice3A_173 : vector<256x64xf32>
    %add3A_176 = arith.addf %add3A_170, %slice3A_173 : vector<256x64xf32>
    %mul3A_177 = arith.mulf %slice3A_173, %slice3A_173 : vector<256x64xf32>
    %add3A_178 = arith.addf %add3A_172, %mul3A_177 : vector<256x64xf32>
    %slice3A_179 = vector.extract_strided_slice %get3A_1 {offsets = [0, 1920], sizes = [256, 64], strides = [1, 1]} : vector<256x2048xf32> to vector<256x64xf32>
    %max3A_180 = arith.maximumf %max3A_174, %slice3A_179 : vector<256x64xf32>
    %min3A_181 = arith.minimumf %min3A_175, %slice3A_179 : vector<256x64xf32>
    %add3A_182 = arith.addf %add3A_176, %slice3A_179 : vector<256x64xf32>
    %mul3A_183 = arith.mulf %slice3A_179, %slice3A_179 : vector<256x64xf32>
    %add3A_184 = arith.addf %add3A_178, %mul3A_183 : vector<256x64xf32>
    %slice3A_185 = vector.extract_strided_slice %get3A_1 {offsets = [0, 1984], sizes = [256, 64], strides = [1, 1]} : vector<256x2048xf32> to vector<256x64xf32>
    %max3A_186 = arith.maximumf %max3A_180, %slice3A_185 : vector<256x64xf32>
    %min3A_187 = arith.minimumf %min3A_181, %slice3A_185 : vector<256x64xf32>
    %add3A_188 = arith.addf %add3A_182, %slice3A_185 : vector<256x64xf32>
    %mul3A_189 = arith.mulf %slice3A_185, %slice3A_185 : vector<256x64xf32>
    %add3A_190 = arith.addf %add3A_184, %mul3A_189 : vector<256x64xf32>
    %swap3A = arith.constant 0 : index
    %swap3A_191 = arith.constant 0 : index
    %swap3A_192 = vector.load %arg4[%swap3A, %swap3A_191] : memref<256x64xf32, #tpu.memory_space<vmem>>, vector<256x64xf32>
    tpu.vector_store %arg4[%swap3A, %swap3A_191], %max3A_186 {strides = array<i32>} : memref<256x64xf32, #tpu.memory_space<vmem>>, vector<256x64xf32>,
    %swap3A_193 = arith.constant 0 : index
    %swap3A_194 = arith.constant 0 : index
    %swap3A_195 = vector.load %arg5[%swap3A_193, %swap3A_194] : memref<256x64xf32, #tpu.memory_space<vmem>>, vector<256x64xf32>
    tpu.vector_store %arg5[%swap3A_193, %swap3A_194], %min3A_187 {strides = array<i32>} : memref<256x64xf32, #tpu.memory_space<vmem>>, vector<256x64xf32>,
    %add3A_196 = vector.broadcast %get3A_7 : vector<1x64xf32> to vector<256x64xf32>
    %add3A_197 = arith.addf %get3A_4, %add3A_196 : vector<256x64xf32>
    %mul3A_198 = arith.constant 3.200000e+01 : f32
    %mul3A_199 = vector.broadcast %mul3A_198 : f32 to vector<256x64xf32>
    %mul3A_200 = arith.mulf %mul3A_199, %add3A_197 : vector<256x64xf32>
    %add3A_201 = arith.addf %mul3A_200, %add3A_188 : vector<256x64xf32>
    %mul3A_202 = arith.constant 3.200000e+01 : f32
    %mul3A_203 = vector.broadcast %mul3A_202 : f32 to vector<256x64xf32>
    %mul3A_204 = arith.mulf %mul3A_203, %add3A_197 : vector<256x64xf32>
    %mul3A_205 = arith.mulf %mul3A_204, %add3A_197 : vector<256x64xf32>
    %mul3A_206 = arith.constant 2.000000e+00 : f32
    %mul3A_207 = vector.broadcast %mul3A_206 : f32 to vector<256x64xf32>
    %mul3A_208 = arith.mulf %mul3A_207, %add3A_197 : vector<256x64xf32>
    %mul3A_209 = arith.mulf %mul3A_208, %add3A_188 : vector<256x64xf32>
    %add3A_210 = arith.addf %mul3A_205, %mul3A_209 : vector<256x64xf32>
    %add3A_211 = arith.addf %add3A_210, %add3A_190 : vector<256x64xf32>
    %reduce_sum3A = arith.constant dense<0.000000e+00> : vector<64xf32>
    %reduce_sum3A_212 = vector.multi_reduction <add>, %add3A_201, %reduce_sum3A [0] : vector<256x64xf32> to vector<64xf32>
    %broadcast_in_dim3A = vector.shape_cast %reduce_sum3A_212 : vector<64xf32> to vector<1x64xf32>
    %swap3A_213 = arith.constant 0 : index
    %swap3A_214 = arith.constant 0 : index
    %swap3A_215 = arith.constant 0 : index
    %swap3A_216 = vector.load %arg6[%swap3A_213, %swap3A_214, %swap3A_215] : memref<1x1x64xf32, #tpu.memory_space<vmem>>, vector<1x1x64xf32>
    %swap3A_217 = vector.shape_cast %swap3A_216 : vector<1x1x64xf32> to vector<1x64xf32>
    %swap3A_218 = vector.shape_cast %broadcast_in_dim3A : vector<1x64xf32> to vector<1x1x64xf32>
    tpu.vector_store %arg6[%swap3A_213, %swap3A_214, %swap3A_215], %swap3A_218 {strides = array<i32>} : memref<1x1x64xf32, #tpu.memory_space<vmem>>, vector<1x1x64xf32>,
    %reduce_sum3A_219 = arith.constant dense<0.000000e+00> : vector<64xf32>
    %reduce_sum3A_220 = vector.multi_reduction <add>, %add3A_211, %reduce_sum3A_219 [0] : vector<256x64xf32> to vector<64xf32>
    %broadcast_in_dim3A_221 = vector.shape_cast %reduce_sum3A_220 : vector<64xf32> to vector<1x64xf32>
    %swap3A_222 = arith.constant 0 : index
    %swap3A_223 = arith.constant 0 : index
    %swap3A_224 = arith.constant 0 : index
    %swap3A_225 = vector.load %arg7[%swap3A_222, %swap3A_223, %swap3A_224] : memref<1x1x64xf32, #tpu.memory_space<vmem>>, vector<1x1x64xf32>
    %swap3A_226 = vector.shape_cast %swap3A_225 : vector<1x1x64xf32> to vector<1x64xf32>
    %swap3A_227 = vector.shape_cast %broadcast_in_dim3A_221 : vector<1x64xf32> to vector<1x1x64xf32>
    tpu.vector_store %arg7[%swap3A_222, %swap3A_223, %swap3A_224], %swap3A_227 {strides = array<i32>} : memref<1x1x64xf32, #tpu.memory_space<vmem>>, vector<1x1x64xf32>,
    return
  }
  func.func @transform_0(%arg0: i32) -> (i32, i32) {
    %c0_i32 = arith.constant 0 : i32
    %c0_i32_0 = arith.constant 0 : i32
    return %arg0, %c0_i32 : i32, i32
  }
  func.func @transform_1(%arg0: i32) -> (i32, i32) {
    %c0_i32 = arith.constant 0 : i32
    %c0_i32_0 = arith.constant 0 : i32
    return %arg0, %c0_i32 : i32, i32
  }
  func.func @transform_2(%arg0: i32) -> (i32, i32) {
    %c0_i32 = arith.constant 0 : i32
    %c0_i32_0 = arith.constant 0 : i32
    %c0_i32_1 = arith.constant 0 : i32
    return %c0_i32, %c0_i32_0 : i32, i32
  }
  func.func @transform_3(%arg0: i32) -> (i32, i32) {
    %c0_i32 = arith.constant 0 : i32
    %c0_i32_0 = arith.constant 0 : i32
    return %arg0, %c0_i32 : i32, i32
  }
  func.func @transform_4(%arg0: i32) -> (i32, i32) {
    %c0_i32 = arith.constant 0 : i32
    %c0_i32_0 = arith.constant 0 : i32
    return %arg0, %c0_i32 : i32, i32
  }
  func.func @transform_5(%arg0: i32) -> (i32, i32, i32) {
    %c0_i32 = arith.constant 0 : i32
    %c0_i32_0 = arith.constant 0 : i32
    %c0_i32_1 = arith.constant 0 : i32
    return %arg0, %c0_i32, %c0_i32_0 : i32, i32, i32
  }
  func.func @transform_6(%arg0: i32) -> (i32, i32, i32) {
    %c0_i32 = arith.constant 0 : i32
    %c0_i32_0 = arith.constant 0 : i32
    %c0_i32_1 = arith.constant 0 : i32
    return %arg0, %c0_i32, %c0_i32_0 : i32, i32, i32
  }
}

module attributes {stable_mosaic.version = 14 : i64} {
  func.func @_out_body(%arg0: i32, %arg1: memref<32x1x64xf32, #tpu.memory_space<vmem>>, %arg2: memref<32x1x64xf32, #tpu.memory_space<vmem>>, %arg3: memref<256x64xf32, #tpu.memory_space<vmem>>, %arg4: memref<256x64xf32, #tpu.memory_space<vmem>>, %arg5: memref<256x64xf32, #tpu.memory_space<vmem>>, %arg6: memref<1x64xf32, #tpu.memory_space<vmem>>, %arg7: memref<1x64xf32, #tpu.memory_space<vmem>>, %arg8: memref<1x64xf32, #tpu.memory_space<vmem>>, %arg9: memref<64x256xf32, #tpu.memory_space<vmem>>) attributes {dimension_semantics = [#tpu.dimension_semantics<arbitrary>], iteration_bounds = array<i64: 8>, scalar_prefetch = 0 : i64, scratch_operands = 0 : i64, tpu.core_type = #tpu.core_type<tc>, window_params = [{pipeline_mode = #tpu.pipeline_mode<synchronous>, transform_indices = @transform_0, window_bounds = array<i64: 32, 1, 64>}, {pipeline_mode = #tpu.pipeline_mode<synchronous>, transform_indices = @transform_1, window_bounds = array<i64: 32, 1, 64>}, {transform_indices = @transform_2, window_bounds = array<i64: 256, 64>}, {transform_indices = @transform_3, window_bounds = array<i64: 256, 64>}, {transform_indices = @transform_4, window_bounds = array<i64: 256, 64>}, {pipeline_mode = #tpu.pipeline_mode<synchronous>, transform_indices = @transform_5, window_bounds = array<i64: 1, 64>}, {pipeline_mode = #tpu.pipeline_mode<synchronous>, transform_indices = @transform_6, window_bounds = array<i64: 1, 64>}, {pipeline_mode = #tpu.pipeline_mode<synchronous>, transform_indices = @transform_7, window_bounds = array<i64: 1, 64>}, {transform_indices = @transform_8, window_bounds = array<i64: 64, 256>}]} {
    %get3A = arith.constant 0 : index
    %get3A_0 = arith.constant 0 : index
    %get3A_1 = arith.constant 0 : index
    %get3A_2 = vector.load %arg1[%get3A, %get3A_0, %get3A_1] : memref<32x1x64xf32, #tpu.memory_space<vmem>>, vector<32x1x64xf32>
    %get3A_3 = vector.shape_cast %get3A_2 : vector<32x1x64xf32> to vector<32x64xf32>
    %reduce_sum3A = arith.constant dense<0.000000e+00> : vector<64xf32>
    %reduce_sum3A_4 = vector.multi_reduction <add>, %get3A_3, %reduce_sum3A [0] : vector<32x64xf32> to vector<64xf32>
    %broadcast_in_dim3A = vector.shape_cast %reduce_sum3A_4 : vector<64xf32> to vector<1x64xf32>
    %div3A = arith.constant 2.621440e+05 : f32
    %div3A_5 = vector.broadcast %div3A : f32 to vector<1x64xf32>
    %div3A_6 = arith.divf %broadcast_in_dim3A, %div3A_5 : vector<1x64xf32>
    %get3A_7 = arith.constant 0 : index
    %get3A_8 = arith.constant 0 : index
    %get3A_9 = arith.constant 0 : index
    %get3A_10 = vector.load %arg2[%get3A_7, %get3A_8, %get3A_9] : memref<32x1x64xf32, #tpu.memory_space<vmem>>, vector<32x1x64xf32>
    %get3A_11 = vector.shape_cast %get3A_10 : vector<32x1x64xf32> to vector<32x64xf32>
    %reduce_sum3A_12 = arith.constant dense<0.000000e+00> : vector<64xf32>
    %reduce_sum3A_13 = vector.multi_reduction <add>, %get3A_11, %reduce_sum3A_12 [0] : vector<32x64xf32> to vector<64xf32>
    %broadcast_in_dim3A_14 = vector.shape_cast %reduce_sum3A_13 : vector<64xf32> to vector<1x64xf32>
    %div3A_15 = arith.constant 2.621440e+05 : f32
    %div3A_16 = vector.broadcast %div3A_15 : f32 to vector<1x64xf32>
    %div3A_17 = arith.divf %broadcast_in_dim3A_14, %div3A_16 : vector<1x64xf32>
    %mul3A = arith.mulf %div3A_6, %div3A_6 : vector<1x64xf32>
    %sub3A = arith.subf %div3A_17, %mul3A : vector<1x64xf32>
    %get3A_18 = arith.constant 0 : index
    %get3A_19 = arith.constant 0 : index
    %get3A_20 = vector.load %arg7[%get3A_18, %get3A_19] : memref<1x64xf32, #tpu.memory_space<vmem>>, vector<1x64xf32>
    %get3A_21 = arith.constant 0 : index
    %get3A_22 = arith.constant 0 : index
    %get3A_23 = vector.load %arg8[%get3A_21, %get3A_22] : memref<1x64xf32, #tpu.memory_space<vmem>>, vector<1x64xf32>
    %get3A_24 = arith.constant 0 : index
    %get3A_25 = arith.constant 0 : index
    %get3A_26 = vector.load %arg6[%get3A_24, %get3A_25] : memref<1x64xf32, #tpu.memory_space<vmem>>, vector<1x64xf32>
    %add3A = arith.constant 9.99999974E-6 : f32
    %add3A_27 = vector.broadcast %add3A : f32 to vector<1x64xf32>
    %add3A_28 = arith.addf %sub3A, %add3A_27 : vector<1x64xf32>
    %rsqrt3A = math.rsqrt %add3A_28 : vector<1x64xf32>
    %mul3A_29 = arith.mulf %get3A_20, %rsqrt3A : vector<1x64xf32>
    %ge3A = arith.constant 0.000000e+00 : f32
    %ge3A_30 = vector.broadcast %ge3A : f32 to vector<1x64xf32>
    %ge3A_31 = arith.cmpf oge, %get3A_20, %ge3A_30 : vector<1x64xf32>
    %get3A_32 = arith.constant 0 : index
    %get3A_33 = arith.constant 0 : index
    %get3A_34 = vector.load %arg4[%get3A_32, %get3A_33] : memref<256x64xf32, #tpu.memory_space<vmem>>, vector<256x64xf32>
    %get3A_35 = arith.constant 0 : index
    %get3A_36 = arith.constant 0 : index
    %get3A_37 = vector.load %arg5[%get3A_35, %get3A_36] : memref<256x64xf32, #tpu.memory_space<vmem>>, vector<256x64xf32>
    %broadcast_in_dim3A_38 = vector.shape_cast %ge3A_31 : vector<1x64xi1> to vector<1x64xi1>
    %broadcast_in_dim3A_39 = vector.broadcast %broadcast_in_dim3A_38 : vector<1x64xi1> to vector<256x64xi1>
    %select_n3A = arith.select %broadcast_in_dim3A_39, %get3A_34, %get3A_37 : vector<256x64xi1>, vector<256x64xf32>
    %get3A_40 = arith.constant 0 : index
    %get3A_41 = arith.constant 0 : index
    %get3A_42 = vector.load %arg3[%get3A_40, %get3A_41] : memref<256x64xf32, #tpu.memory_space<vmem>>, vector<256x64xf32>
    %add3A_43 = vector.broadcast %get3A_26 : vector<1x64xf32> to vector<256x64xf32>
    %add3A_44 = arith.addf %get3A_42, %add3A_43 : vector<256x64xf32>
    %add3A_45 = arith.addf %add3A_44, %select_n3A : vector<256x64xf32>
    %sub3A_46 = vector.broadcast %div3A_6 : vector<1x64xf32> to vector<256x64xf32>
    %sub3A_47 = arith.subf %add3A_45, %sub3A_46 : vector<256x64xf32>
    %mul3A_48 = vector.broadcast %mul3A_29 : vector<1x64xf32> to vector<256x64xf32>
    %mul3A_49 = arith.mulf %sub3A_47, %mul3A_48 : vector<256x64xf32>
    %add3A_50 = vector.broadcast %get3A_23 : vector<1x64xf32> to vector<256x64xf32>
    %add3A_51 = arith.addf %mul3A_49, %add3A_50 : vector<256x64xf32>
    %max3A = arith.constant 0.000000e+00 : f32
    %max3A_52 = vector.broadcast %max3A : f32 to vector<256x64xf32>
    %max3A_53 = arith.maximumf %add3A_51, %max3A_52 : vector<256x64xf32>
    %transpose3A = tpu.transpose %max3A_53, [1, 0] : vector<256x64xf32> -> vector<64x256xf32>
    %swap3A = arith.constant 0 : index
    %swap3A_54 = arith.constant 0 : index
    %swap3A_55 = vector.load %arg9[%swap3A, %swap3A_54] : memref<64x256xf32, #tpu.memory_space<vmem>>, vector<64x256xf32>
    tpu.vector_store %arg9[%swap3A, %swap3A_54], %transpose3A {strides = array<i32>} : memref<64x256xf32, #tpu.memory_space<vmem>>, vector<64x256xf32>,
    return
  }
  func.func @transform_0(%arg0: i32) -> (i32, i32, i32) {
    %c0_i32 = arith.constant 0 : i32
    %c0_i32_0 = arith.constant 0 : i32
    %c0_i32_1 = arith.constant 0 : i32
    %c0_i32_2 = arith.constant 0 : i32
    return %c0_i32, %c0_i32_0, %c0_i32_1 : i32, i32, i32
  }
  func.func @transform_1(%arg0: i32) -> (i32, i32, i32) {
    %c0_i32 = arith.constant 0 : i32
    %c0_i32_0 = arith.constant 0 : i32
    %c0_i32_1 = arith.constant 0 : i32
    %c0_i32_2 = arith.constant 0 : i32
    return %c0_i32, %c0_i32_0, %c0_i32_1 : i32, i32, i32
  }
  func.func @transform_2(%arg0: i32) -> (i32, i32) {
    %c0_i32 = arith.constant 0 : i32
    %c0_i32_0 = arith.constant 0 : i32
    return %arg0, %c0_i32 : i32, i32
  }
  func.func @transform_3(%arg0: i32) -> (i32, i32) {
    %c0_i32 = arith.constant 0 : i32
    %c0_i32_0 = arith.constant 0 : i32
    return %arg0, %c0_i32 : i32, i32
  }
  func.func @transform_4(%arg0: i32) -> (i32, i32) {
    %c0_i32 = arith.constant 0 : i32
    %c0_i32_0 = arith.constant 0 : i32
    return %arg0, %c0_i32 : i32, i32
  }
  func.func @transform_5(%arg0: i32) -> (i32, i32) {
    %c0_i32 = arith.constant 0 : i32
    %c0_i32_0 = arith.constant 0 : i32
    %c0_i32_1 = arith.constant 0 : i32
    return %c0_i32, %c0_i32_0 : i32, i32
  }
  func.func @transform_6(%arg0: i32) -> (i32, i32) {
    %c0_i32 = arith.constant 0 : i32
    %c0_i32_0 = arith.constant 0 : i32
    %c0_i32_1 = arith.constant 0 : i32
    return %c0_i32, %c0_i32_0 : i32, i32
  }
  func.func @transform_7(%arg0: i32) -> (i32, i32) {
    %c0_i32 = arith.constant 0 : i32
    %c0_i32_0 = arith.constant 0 : i32
    %c0_i32_1 = arith.constant 0 : i32
    return %c0_i32, %c0_i32_0 : i32, i32
  }
  func.func @transform_8(%arg0: i32) -> (i32, i32) {
    %c0_i32 = arith.constant 0 : i32
    %c0_i32_0 = arith.constant 0 : i32
    return %c0_i32, %arg0 : i32, i32
  }
}

</mosaic_0001>

<sc_bundles>
// kernel: kernel.18.cloned.1.call-start
scs
__scs_entry_jumppad:
0x0: {  	(pc) =	sbr.rel $0x88, $3  }
0x1: {  	(tag) =	ssettag $0x0;
	lr =	simm.s32 $0x1  }
0x2: {  	[smem:$0x3F9C] =	sst lr;
	_ =	strace $0xD0000000  }
0x3: {  	_ = 	snop  }
0x4: {  	_ = 	snop  }
0x5: {  	_ = 	snop  }
0x6: {  	_ = 	snop  }
0x7: {  	_ = 	snop  }
__scs_overlays_trampoline_lowered:
0x8: {  	[smem:$0x3FAB] =	sst s0  }
0x9: {  	[smem:$0x3FAC] =	sst s1  }
0xa: {  	[smem:$0x3FAD] =	sst s2  }
0xb: {  	[smem:$0x3FAE] =	sst s3  }
0xc: {  	[smem:$0x3FAF] =	sst s4  }
0xd: {  	[smem:$0x3FB0] =	sst s5  }
0xe: {  	[smem:$0x3FB1] =	sst s6  }
0xf: {  	[smem:$0x3FB2] =	sst s7  }
0x10: {  	[smem:$0x3FB3] =	sst s8  }
0x11: {  	[smem:$0x3FB4] =	sst s9;
	s0 =	simm.s32 @!p0 $0x0  }
0x12: {  	s1 =	sld [smem:$0x3F9A];
	s0 =	simm.s32 @p0 $0x1  }
0x13: {  	[smem:$0x3FB5] =	sst s0;
	s0 =	simm.s32 @!p1 $0x0  }
0x14: {  	s2 =	sld [smem:$0x3F99];
	s0 =	simm.s32 @p1 $0x1  }
0x15: {  	[smem:$0x3FB6] =	sst s0;
	s0 =	simm.s32 @!p2 $0x0  }
0x16: {  	s3 =	sld [smem:$0x3FDB];
	s0 =	simm.s32 @p2 $0x1  }
0x17: {  	s4 =	simm.s32 $0x1BF5;
	[smem:$0x3FB8] =	sst s0  }
0x18: {  	s0 =	sld [smem:$0x3F9B];
	_ =	swait.ge [sflag:s4], $0x0  }
0x19: {  	s7 =	sld [smem:$0x3F9C]  }
0x1a: {  	s8 =	sadd.s32 $0xFFFFE003, lr  }
0x1b: {  	s9 =	sadd.s32 $0xFFFFFEF7, lr;
	s5 =	simm.s32 $0xFFFFFFFF;
	p2 =	slt.u32 s8, $0xFFFFF086  }
0x1c: {  	p1 =	slt.u32 s9, $0xF7A;
	s5 =	simm.s32 @!p2 $0x0  }
0x1d: {  	s5 =	simm.s32 @p1 $0x1;
	p0 =	seq.s32 s7, s2  }
0x1e: {  	s7 =	smul.u32 @!p0 $0xF7A, s2;
	p2 =	seq.s32 @!p0 s5, $0x0  }
0x1f: {  	s9 =	smul.u32 $0xF7A, s1;
	s8 =	simm.s32 @!p0 $0x1BF5;
	p2 =	por !p2, p0  }
0x20: {  	[sflag:s8] =	ssyncset.s32 @!p0 $0xFFFFF086;
	s6 =	sadd.s32 @!p0 s3, s7;
	s7 =	simm.s32 @!p0 $0x108  }
0x21: {  	s3 =	sadd.s32 s3, s9;
	s6 =	sadd.s32 @!p0 $0x88, s6;
	s7 =	simm.s32 @p2 $0x1082  }
0x22: {  	[simem:s7], [sflag:s8] =	dma.local @!p0 [hbm:s6], $0xF7A  }
0x23: {  	s9 =	sor.u32 $0xD0000000, s2;
	s6 =	simm.s32 $0x108;
	_ =	swait.ge @!p0 [sflag:s8], $0x0  }
0x24: {  	s3 =	sadd.s32 $0x88, s3;
	s6 =	simm.s32 @!p1 $0x1082;
	[sflag:s4] =	ssyncset.s32 $0xFFFFF086  }
0x25: {  	[simem:s6], [sflag:s4] =	dma.local [hbm:s3], $0xF7A  }
0x26: {  	[smem:$0x3F9C] =	sst s1;
	(tag) =	ssettag s2;
	_ =	strace s9  }
0x27: {  	s1 =	sld [smem:$0x3FAC]  }
0x28: {  	s2 =	sld [smem:$0x3FAD]  }
0x29: {  	s4 =	sld [smem:$0x3FAF]  }
0x2a: {  	p0 =	seq.s32 s5, $0x0;
	s5 =	sld [smem:$0x3FB0]  }
0x2b: {  	s6 =	sld [smem:$0x3FB1]  }
0x2c: {  	s7 =	sld [smem:$0x3FB2]  }
0x2d: {  	s3 =	simm.s32 $0x108;
	s8 =	sld [smem:$0x3FB3]  }
0x2e: {  	s3 =	simm.s32 @!p0 $0x1082;
	s9 =	sld [smem:$0x3FB4]  }
0x2f: {  	lr =	sadd.s32 s0, s3;
	s0 =	sld [smem:$0x3FAB]  }
0x30: {  	s3 =	sld [smem:$0x3FAE]  }
0x31: {  	[smem:$0x3FB7] =	sst s10  }
0x32: {  	s10 =	sld [smem:$0x3FB5];
	_ =	sdelay $0x3  }
0x33: {  	p0 =	seq.s32 s10, $0x1;
	s10 =	sld [smem:$0x3FB7];
	_ =	sdelay $0x3  }
0x34: {  	[smem:$0x3FB7] =	sst s10  }
0x35: {  	s10 =	sld [smem:$0x3FB6];
	_ =	sdelay $0x3  }
0x36: {  	p1 =	seq.s32 s10, $0x1;
	s10 =	sld [smem:$0x3FB7];
	_ =	sdelay $0x3  }
0x37: {  	[smem:$0x3FB7] =	sst s10  }
0x38: {  	s10 =	sld [smem:$0x3FB8]  }
0x39: {  	_ = 	snop;
	(pc) =	sbr.ind lr, $3  }
0x3a: {  	_ = 	snop  }
0x3b: {  	_ = 	snop  }
0x3c: {  	p2 =	seq.s32 s10, $0x1;
	s10 =	sld [smem:$0x3FB7]  }
0x3d: {  	_ =	shalt  }
0x3e: {  	_ =	shalt  }
0x3f: {  	_ =	shalt  }
0x40: {  	_ =	shalt  }
0x41: {  	_ =	shalt  }
0x42: {  	_ =	shalt  }
0x43: {  	_ =	shalt  }
0x44: {  	_ =	shalt  }
0x45: {  	_ =	shalt  }
0x46: {  	_ =	shalt  }
0x47: {  	_ =	shalt  }
0x48: {  	_ =	shalt  }
0x49: {  	_ =	shalt  }
0x4a: {  	_ =	shalt  }
0x4b: {  	_ =	shalt  }
0x4c: {  	_ =	shalt  }
0x4d: {  	_ =	shalt  }
0x4e: {  	_ =	shalt  }
0x4f: {  	_ =	shalt  }
0x50: {  	_ =	shalt  }
0x51: {  	_ =	shalt  }
0x52: {  	_ =	shalt  }
0x53: {  	_ =	shalt  }
0x54: {  	_ =	shalt  }
0x55: {  	_ =	shalt  }
0x56: {  	_ =	shalt  }
0x57: {  	_ =	shalt  }
0x58: {  	_ =	shalt  }
0x59: {  	_ =	shalt  }
0x5a: {  	_ =	shalt  }
0x5b: {  	_ =	shalt  }
0x5c: {  	_ =	shalt  }
0x5d: {  	_ =	shalt  }
0x5e: {  	_ =	shalt  }
0x5f: {  	_ =	shalt  }
0x60: {  	_ =	shalt  }
0x61: {  	_ =	shalt  }
0x62: {  	_ =	shalt  }
0x63: {  	_ =	shalt  }
0x64: {  	_ =	shalt  }
0x65: {  	_ =	shalt  }
0x66: {  	_ =	shalt  }
0x67: {  	_ =	shalt  }
0x68: {  	_ =	shalt  }
0x69: {  	_ =	shalt  }
0x6a: {  	_ =	shalt  }
0x6b: {  	_ =	shalt  }
0x6c: {  	_ =	shalt  }
0x6d: {  	_ =	shalt  }
0x6e: {  	_ =	shalt  }
0x6f: {  	_ =	shalt  }
0x70: {  	_ =	shalt  }
0x71: {  	_ =	shalt  }
0x72: {  	_ =	shalt  }
0x73: {  	_ =	shalt  }
0x74: {  	_ =	shalt  }
0x75: {  	_ =	shalt  }
0x76: {  	_ =	shalt  }
0x77: {  	_ =	shalt  }
0x78: {  	_ =	shalt  }
0x79: {  	_ =	shalt  }
0x7a: {  	_ =	shalt  }
0x7b: {  	_ =	shalt  }
0x7c: {  	_ =	shalt  }
0x7d: {  	_ =	shalt  }
0x7e: {  	_ =	shalt  }
0x7f: {  	_ =	shalt  }
0x80: {  	_ =	shalt  }
0x81: {  	_ =	shalt  }
0x82: {  	_ =	shalt  }
0x83: {  	_ =	shalt  }
0x84: {  	_ =	shalt  }
0x85: {  	_ =	shalt  }
0x86: {  	_ =	shalt  }
0x87: {  	_ =	shalt  }
.Lfunc_end0:
.L_simem_size_0:
called_computation_lowered:
.L_overlay_start_0:
0x88: {  	s2 =	sld [smem:$0x3FD9]  }
0x89: {  	s3 =	sld [smem:$0x3FFE];
	_ =	sdelay $0x1  }
0x8a: {  	s1 =	srdreg.scid  }
0x8b: {  	s0 =	sand.u32 $0x1, s1  }
0x8c: {  	s17 =	sshll.u32 s0, $0xA;
	s2 =	sadd.s32 s3, s2  }
0x8d: {  	s2 =	sadd.s32 s2, s17  }
0x8e: {  	[smem:$0x3FC3] =	sst s2  }
0x8f: {  	_ = 	snop  }
0x90: {  	s2 =	sld [smem:$0x3FD0];
	(tm) =	ssettm $0x1  }
0x91: {  	s18 =	sld [smem:$0x3FFB];
	_ =	sdelay $0x3  }
0x92: {  	_ =	strace s18  }
0x93: {  	s3 =	sld [smem:$0x3FFC];
	_ =	sdelay $0x3  }
0x94: {  	_ =	strace s3  }
0x95: {  	s3 =	sld [smem:$0x3FFD];
	_ =	sdelay $0x3  }
0x96: {  	_ =	strace s3  }
0x97: {  	_ =	strace $0x8FFFFFFF  }
0x98: {  	s19 =	sld [smem:$0x3FDB];
	_ =	sdelay $0x1  }
0x99: {  	s4 =	simm.s32 $_scs_section_size  }
0x9a: {  	s5 =	simm.s32 $_size__tile_overlayer_lowered;
	s6 =	simm.s32 $_tile_overlayer_lowered  }
0x9b: {  	s22 =	simm.s32 $0x1BFF;
	s21 =	sshll.u32 s6, $0x1;
	s3 =	sadd.s32 s4, s19  }
0x9c: {  	s7 =	simm.s32 $0x0;
	s20 =	sshll.u32 s5, $0x1;
	s5 =	sadd.s32 s21, s3  }
0x9d: {  	[timem:s7], [sflag:s22] =	dma.local [hbm:s5], s20  }
0x9e: {  	_ =	swait.ge [sflag:s22], s20  }
0x9f: {  	s4 =	ssub.s32 $0x0, s20;
	[sflag:s22] =	ssyncset.done $0x0  }
0xa0: {  	[sflag:s22] =	ssyncadd.s32 s4;
	_ =	sdelay $0x1  }
0xa1: {  	s23 =	simm.s32 $0x1B8B  }
0xa2: {  	_ =	swait.ge [sflag:s23], $0x1  }
0xa3: {  	[sflag:s23] =	ssyncset.done $0x0  }
0xa4: {  	s25 =	simm.s32 $0x1B8E;
	s24 =	sld [smem:$0x3FFE];
	[sflag:s23] =	ssyncadd.s32 $0xFFFFFFFF  }
0xa5: {  	s26 =	simm.s32 $execute0_lowered;
	[smem:$0x3FD2] =	sst s25  }
0xa6: {  	s5 =	sshll.u32 s26, $0x1;
	_ =	strace $0x80000046;
	[dreg:$0x1] =	wrdreg $0xFFFFFFFF  }
0xa7: {  	s28 =	simm.s32 $_size_execute0_lowered;
	s3 =	sadd.s32 s3, s5;
	[dreg:$0x0] =	wrdreg $0x0  }
0xa8: {  	s5 =	sshll.u32 s28, $0x1;
	[dreg:$0x2] =	wrdreg s3  }
0xa9: {  	[dreg:$0x3] =	wrdreg s5  }
0xaa: {  	[dreg:$0x4] =	wrdreg $0xC0  }
0xab: {  	_ =	task [dreg:s7], $0x5FFFF  }
0xac: {  	[dreg:$0x1] =	wrdreg $0xFFFFFFFF  }
0xad: {  	[dreg:$0x0] =	wrdreg $0x60  }
0xae: {  	[dreg:$0x2] =	wrdreg s24  }
0xaf: {  	[dreg:$0x3] =	wrdreg s2  }
0xb0: {  	[dreg:$0x4] =	wrdreg $0x9  }
0xb1: {  	_ =	task.clear_ibuf [dreg:s7], $0x5FFFF;
	_ =	strace $0x90000046  }
0xb2: {  	s29 =	simm.s32 $0x9;
	_ =	strace $0x80000048  }
0xb3: {  	_ =	swait.ge [sflag:s29], $0x1  }
0xb4: {  	[sflag:s29] =	ssyncadd.s32 $0xFFFFFFFF  }
0xb5: {  	_ =	strace $0x90000048  }
0xb6: {  	_ =	sfence  }
0xb7: {  	s30 =	sld [smem:$0x0];
	_ =	sdelay $0x2  }
0xb8: {  	s31 =	sshll.u32 s1, $0xD;
	s1 =	sshrl.u32 s1, $0x2  }
0xb9: {  	s3 =	sand.u32 $0x4000, s31;
	s1 =	sadd.s32 s1, s30  }
0xba: {  	s0 =	sor.u32 s3, s0;
	s1 =	sshll.u32 s1, $0x11  }
0xbb: {  	s0 =	sor.u32 s1, s0  }
0xbc: {  	s0 =	sadd.s32 $0x8F2B, s0  }
0xbd: {  	[sflag:s0] =	ssyncadd.remote.s32 $0x1  }
0xbe: {  	_ =	sfence.sel $0xFFFF  }
0xbf: {  	[dreg:$0x0] =	wrdreg $0xFFFFFFFF;
	(pc) =	sbr.abs _section_cstart, $3  }
0xc0: {  	[dreg:$0x1] =	wrdreg $0xFFFFFFFF  }
0xc1: {  	_ =	task.clear_ibuf [dreg:s7], $0x2FFFF;
	_ =	strace $0x9FFFFFFF  }
0xc2: {  	(tm) =	ssettm $0x7FFFFFFF  }
0xc3: {  	_ =	shalt  }
tec
execute0_lowered:
.L_overlay_start_1:
0x0: {  	(tag) =	ssettag $0x1  }
0x1: {  	s1 =	srdreg.scid  }
0x2: {  	s8 =	rddreg [dreg:$0x0];
	s0 =	stileid.u32;
	s10 =	sand.u32 $0x1, s1  }
0x3: {  	s2 =	rddreg [dreg:$0x1];
	s4 =	sshll.u32 s0, $0xC;
	s5 =	sshll.u32 s10, $0xB  }
0x4: {  	s3 =	simm.s32 $0x0;
	s1 =	rddreg [dreg:$0x2];
	s9 =	sor.u32 s5, s4  }
0x5: {  	[smem:$0x7FF] =	sst s3;
	s11 =	sadd.s32 $0x3200, s8;
	s4 =	sshrl.u32 s9, $0x3  }
0x6: {  	_ =	strace $0x80000047;
	s5 =	sadd.s32 s11, s4;
	s4 =	simm.s32 $0x2  }
0x7: {  	[tilespmem:s3], [sflag:$0x2] =	stream.linear.gather [hbm4b:s5+s3], $0x400, $0x38;
	[tilespmem:$0x10400] =	vst v63  }
0x8: {  	_ =	swait.ge [sflag:s4], $0x400  }
0x9: {  	[sflag:s4] =	ssyncset.done $0x0  }
0xa: {  	s6 =	simm.s32 $0x400;
	s7 =	simm.s32 $0x1;
	[sflag:s4] =	ssyncadd.s32 $0xFFFFFC00  }
0xb: {  	[tilespmem:s6], [sflag:$0x1] =	stream.indirect.gather [hbm4b:s2+s6], $0x40, s3, s6, $0xb8;
	[tilespmem:$0x10400] =	vst v63  }
0xc: {  	_ =	swait.ge [sflag:s7], $0x10000  }
0xd: {  	s12 =	sadd.s32 $0x5200, s8;
	s29 =	sshll.u32 s9, $0x3;
	[sflag:s7] =	ssyncset.done $0x0  }
0xe: {  	s8 =	sadd.s32 s12, s29;
	[sflag:s7] =	ssyncadd.s32 $0xFFFF0000  }
0xf: {  	[hbm4b:s8+s3] =	stream.linear.scatter [tilespmem:s6], [sflag:$0x2], $0x10000, $0x38;
	[tilespmem:$0x10400] =	vst v63  }
0x10: {  	s13 =	sor.u32 $0x400, s9;
	_ =	swait.ge [sflag:s4], $0x10000  }
0x11: {  	s9 =	sshrl.u32 s13, $0x3;
	[sflag:s4] =	ssyncset.done $0x0  }
0x12: {  	s10 =	ssub.s32 $0x2, s10;
	s9 =	sadd.s32 s11, s9;
	[sflag:s4] =	ssyncadd.s32 $0xFFFF0000  }
0x13: {  	[tilespmem:s3], [sflag:$0x2] =	stream.linear.gather [hbm4b:s9+s3], $0x400, $0x38;
	[tilespmem:$0x10400] =	vst v63  }
0x14: {  	s30 =	sshrl.u32 s10, $0x1;
	_ =	swait.ge [sflag:s4], $0x400  }
0x15: {  	s11 =	ssub.s32 s10, s30;
	[sflag:s4] =	ssyncset.done $0x0  }
0x16: {  	s11 =	smax.u32 s11, $0x1;
	[sflag:s4] =	ssyncadd.s32 $0xFFFFFC00  }
0x17: {  	[tilespmem:s6], [sflag:$0x1] =	stream.indirect.gather [hbm4b:s2+s6], $0x40, s3, s6, $0xb8;
	[tilespmem:$0x10400] =	vst v63  }
0x18: {  	p0 =	sne.s32 s11, $0x1;
	_ =	swait.ge [sflag:s7], $0x10000  }
.Ltmp0:
0x19: {  	s31 =	sshll.u32 s13, $0x3;
	[sflag:s7] =	ssyncset.done $0x0;
	(pc) =	sbr.rel @!p0 .LBB2_2-.Ltmp0, $4  }
0x1a: {  	s10 =	sadd.s32 s12, s31;
	[sflag:s7] =	ssyncadd.s32 $0xFFFF0000  }
0x1b: {  	[hbm4b:s10+s3] =	stream.linear.scatter [tilespmem:s6], [sflag:$0x2], $0x10000, $0x38;
	[tilespmem:$0x10400] =	vst v63  }
0x1c: {  	_ =	swait.ge [sflag:s4], $0x10000  }
0x1d: {  	s11 =	sadd.s32 $0xFFFFFFFF, s11;
	[sflag:s4] =	ssyncset.done $0x0  }
.LBB2_1:
0x1e: {  	p0 =	sne.s32 s11, $0x1;
	s11 =	sadd.s32 $0xFFFFFFFF, s11;
	[sflag:s4] =	ssyncadd.s32 $0xFFFF0000  }
0x1f: {  	[tilespmem:s3], [sflag:$0x2] =	stream.linear.gather [hbm4b:s5+s3], $0x400, $0x38;
	[tilespmem:$0x10400] =	vst v63  }
0x20: {  	_ =	swait.ge [sflag:s4], $0x400  }
0x21: {  	[sflag:s4] =	ssyncset.done $0x0  }
0x22: {  	[sflag:s4] =	ssyncadd.s32 $0xFFFFFC00  }
0x23: {  	[tilespmem:s6], [sflag:$0x1] =	stream.indirect.gather [hbm4b:s2+s6], $0x40, s3, s6, $0xb8;
	[tilespmem:$0x10400] =	vst v63  }
0x24: {  	_ =	swait.ge [sflag:s7], $0x10000  }
0x25: {  	[sflag:s7] =	ssyncset.done $0x0  }
0x26: {  	[sflag:s7] =	ssyncadd.s32 $0xFFFF0000  }
0x27: {  	[hbm4b:s8+s3] =	stream.linear.scatter [tilespmem:s6], [sflag:$0x2], $0x10000, $0x38;
	[tilespmem:$0x10400] =	vst v63  }
0x28: {  	_ =	swait.ge [sflag:s4], $0x10000  }
0x29: {  	[sflag:s4] =	ssyncset.done $0x0  }
0x2a: {  	[sflag:s4] =	ssyncadd.s32 $0xFFFF0000  }
0x2b: {  	[tilespmem:s3], [sflag:$0x2] =	stream.linear.gather [hbm4b:s9+s3], $0x400, $0x38;
	[tilespmem:$0x10400] =	vst v63  }
0x2c: {  	_ =	swait.ge [sflag:s4], $0x400  }
0x2d: {  	[sflag:s4] =	ssyncset.done $0x0  }
0x2e: {  	[sflag:s4] =	ssyncadd.s32 $0xFFFFFC00  }
0x2f: {  	[tilespmem:s6], [sflag:$0x1] =	stream.indirect.gather [hbm4b:s2+s6], $0x40, s3, s6, $0xb8;
	[tilespmem:$0x10400] =	vst v63  }
0x30: {  	_ =	swait.ge [sflag:s7], $0x10000  }
.Ltmp1:
0x31: {  	[sflag:s7] =	ssyncset.done $0x0;
	(pc) =	sbr.rel @p0 .LBB2_1-.Ltmp1, $4  }
0x32: {  	[sflag:s7] =	ssyncadd.s32 $0xFFFF0000  }
0x33: {  	[hbm4b:s10+s3] =	stream.linear.scatter [tilespmem:s6], [sflag:$0x2], $0x10000, $0x38;
	[tilespmem:$0x10400] =	vst v63  }
0x34: {  	_ =	swait.ge [sflag:s4], $0x10000  }
0x35: {  	[sflag:s4] =	ssyncset.done $0x0  }
.LBB2_2:
0x36: {  	[sflag:s4] =	ssyncadd.s32 $0xFFFF0000  }
0x37: {  	_ =	sfence.sel $0x180000  }
0x38: {  	[bflag:$0x0] =	sbarrier.arrive $0xFFFF  }
0x39: {  	p0 =	sne.s32 s0, $0x0;
	_ =	strace $0x90000047  }
0x3a: {  	s0 =	sadd.s32 @!p0 $0x100000, s1;
	[bflag:$0x2] =	sbarrier.arrive $0xFFFF  }
0x3b: {  	[sflag:s0] =	ssyncadd.tile.s32 @!p0 $0x1;
	_ =	shalt  }
.Lfunc_end2:
_tile_overlayer_lowered:
.L_overlay_start_2:
0x3c: {  	(tag) =	ssettag $0x2  }
0x3d: {  	s0 =	rddreg [dreg:$0x0];
	s2 =	stileid.u32  }
0x3e: {  	s1 =	rddreg [dreg:$0x1];
	p0 =	sne.s32 s2, $0x0  }
0x3f: {  	s3 =	rddreg [dreg:$0x2];
	[bflag:$0x3] =	sbarrier.arrive $0xFFFF;
	s2 =	simm.s32 @!p0 $0x1C02  }
0x40: {  	[timem:s3], [sflag:s2] =	dma.local @!p0 [hbm:s0], s1  }
0x41: {  	s0 =	simm.s32 @!p0 $0x2  }
0x42: {  	_ =	swait.ge @!p0 [sflag:s0], s1  }
0x43: {  	s1 =	ssub.s32 @!p0 $0x0, s1;
	[sflag:s0] =	ssyncset.done @!p0 $0x0  }
0x44: {  	[sflag:s0] =	ssyncadd.s32 @!p0 s1  }
0x45: {  	[bflag:$0x3] =	sbarrier.arrive $0xFFFF  }
0x46: {  	_ =	shalt  }

// kernel: kernel.21.cloned.1.call-start
scs
__scs_entry_jumppad:
0x0: {  	(pc) =	sbr.rel $0x88, $3  }
0x1: {  	(tag) =	ssettag $0x0;
	lr =	simm.s32 $0x1  }
0x2: {  	[smem:$0x3F9C] =	sst lr;
	_ =	strace $0xD0000000  }
0x3: {  	_ = 	snop  }
0x4: {  	_ = 	snop  }
0x5: {  	_ = 	snop  }
0x6: {  	_ = 	snop  }
0x7: {  	_ = 	snop  }
__scs_overlays_trampoline_lowered:
0x8: {  	[smem:$0x3FAB] =	sst s0  }
0x9: {  	[smem:$0x3FAC] =	sst s1  }
0xa: {  	[smem:$0x3FAD] =	sst s2  }
0xb: {  	[smem:$0x3FAE] =	sst s3  }
0xc: {  	[smem:$0x3FAF] =	sst s4  }
0xd: {  	[smem:$0x3FB0] =	sst s5  }
0xe: {  	[smem:$0x3FB1] =	sst s6  }
0xf: {  	[smem:$0x3FB2] =	sst s7  }
0x10: {  	[smem:$0x3FB3] =	sst s8  }
0x11: {  	[smem:$0x3FB4] =	sst s9;
	s0 =	simm.s32 @!p0 $0x0  }
0x12: {  	s1 =	sld [smem:$0x3F9A];
	s0 =	simm.s32 @p0 $0x1  }
0x13: {  	[smem:$0x3FB5] =	sst s0;
	s0 =	simm.s32 @!p1 $0x0  }
0x14: {  	s2 =	sld [smem:$0x3F99];
	s0 =	simm.s32 @p1 $0x1  }
0x15: {  	[smem:$0x3FB6] =	sst s0;
	s0 =	simm.s32 @!p2 $0x0  }
0x16: {  	s3 =	sld [smem:$0x3FDB];
	s0 =	simm.s32 @p2 $0x1  }
0x17: {  	s4 =	simm.s32 $0x1BF5;
	[smem:$0x3FB8] =	sst s0  }
0x18: {  	s0 =	sld [smem:$0x3F9B];
	_ =	swait.ge [sflag:s4], $0x0  }
0x19: {  	s7 =	sld [smem:$0x3F9C]  }
0x1a: {  	s8 =	sadd.s32 $0xFFFFE003, lr  }
0x1b: {  	s9 =	sadd.s32 $0xFFFFFEF7, lr;
	s5 =	simm.s32 $0xFFFFFFFF;
	p2 =	slt.u32 s8, $0xFFFFF086  }
0x1c: {  	p1 =	slt.u32 s9, $0xF7A;
	s5 =	simm.s32 @!p2 $0x0  }
0x1d: {  	s5 =	simm.s32 @p1 $0x1;
	p0 =	seq.s32 s7, s2  }
0x1e: {  	s7 =	smul.u32 @!p0 $0xF7A, s2;
	p2 =	seq.s32 @!p0 s5, $0x0  }
0x1f: {  	s9 =	smul.u32 $0xF7A, s1;
	s8 =	simm.s32 @!p0 $0x1BF5;
	p2 =	por !p2, p0  }
0x20: {  	[sflag:s8] =	ssyncset.s32 @!p0 $0xFFFFF086;
	s6 =	sadd.s32 @!p0 s3, s7;
	s7 =	simm.s32 @!p0 $0x108  }
0x21: {  	s3 =	sadd.s32 s3, s9;
	s6 =	sadd.s32 @!p0 $0x88, s6;
	s7 =	simm.s32 @p2 $0x1082  }
0x22: {  	[simem:s7], [sflag:s8] =	dma.local @!p0 [hbm:s6], $0xF7A  }
0x23: {  	s9 =	sor.u32 $0xD0000000, s2;
	s6 =	simm.s32 $0x108;
	_ =	swait.ge @!p0 [sflag:s8], $0x0  }
0x24: {  	s3 =	sadd.s32 $0x88, s3;
	s6 =	simm.s32 @!p1 $0x1082;
	[sflag:s4] =	ssyncset.s32 $0xFFFFF086  }
0x25: {  	[simem:s6], [sflag:s4] =	dma.local [hbm:s3], $0xF7A  }
0x26: {  	[smem:$0x3F9C] =	sst s1;
	(tag) =	ssettag s2;
	_ =	strace s9  }
0x27: {  	s1 =	sld [smem:$0x3FAC]  }
0x28: {  	s2 =	sld [smem:$0x3FAD]  }
0x29: {  	s4 =	sld [smem:$0x3FAF]  }
0x2a: {  	p0 =	seq.s32 s5, $0x0;
	s5 =	sld [smem:$0x3FB0]  }
0x2b: {  	s6 =	sld [smem:$0x3FB1]  }
0x2c: {  	s7 =	sld [smem:$0x3FB2]  }
0x2d: {  	s3 =	simm.s32 $0x108;
	s8 =	sld [smem:$0x3FB3]  }
0x2e: {  	s3 =	simm.s32 @!p0 $0x1082;
	s9 =	sld [smem:$0x3FB4]  }
0x2f: {  	lr =	sadd.s32 s0, s3;
	s0 =	sld [smem:$0x3FAB]  }
0x30: {  	s3 =	sld [smem:$0x3FAE]  }
0x31: {  	[smem:$0x3FB7] =	sst s10  }
0x32: {  	s10 =	sld [smem:$0x3FB5];
	_ =	sdelay $0x3  }
0x33: {  	p0 =	seq.s32 s10, $0x1;
	s10 =	sld [smem:$0x3FB7];
	_ =	sdelay $0x3  }
0x34: {  	[smem:$0x3FB7] =	sst s10  }
0x35: {  	s10 =	sld [smem:$0x3FB6];
	_ =	sdelay $0x3  }
0x36: {  	p1 =	seq.s32 s10, $0x1;
	s10 =	sld [smem:$0x3FB7];
	_ =	sdelay $0x3  }
0x37: {  	[smem:$0x3FB7] =	sst s10  }
0x38: {  	s10 =	sld [smem:$0x3FB8]  }
0x39: {  	_ = 	snop;
	(pc) =	sbr.ind lr, $3  }
0x3a: {  	_ = 	snop  }
0x3b: {  	_ = 	snop  }
0x3c: {  	p2 =	seq.s32 s10, $0x1;
	s10 =	sld [smem:$0x3FB7]  }
0x3d: {  	_ =	shalt  }
0x3e: {  	_ =	shalt  }
0x3f: {  	_ =	shalt  }
0x40: {  	_ =	shalt  }
0x41: {  	_ =	shalt  }
0x42: {  	_ =	shalt  }
0x43: {  	_ =	shalt  }
0x44: {  	_ =	shalt  }
0x45: {  	_ =	shalt  }
0x46: {  	_ =	shalt  }
0x47: {  	_ =	shalt  }
0x48: {  	_ =	shalt  }
0x49: {  	_ =	shalt  }
0x4a: {  	_ =	shalt  }
0x4b: {  	_ =	shalt  }
0x4c: {  	_ =	shalt  }
0x4d: {  	_ =	shalt  }
0x4e: {  	_ =	shalt  }
0x4f: {  	_ =	shalt  }
0x50: {  	_ =	shalt  }
0x51: {  	_ =	shalt  }
0x52: {  	_ =	shalt  }
0x53: {  	_ =	shalt  }
0x54: {  	_ =	shalt  }
0x55: {  	_ =	shalt  }
0x56: {  	_ =	shalt  }
0x57: {  	_ =	shalt  }
0x58: {  	_ =	shalt  }
0x59: {  	_ =	shalt  }
0x5a: {  	_ =	shalt  }
0x5b: {  	_ =	shalt  }
0x5c: {  	_ =	shalt  }
0x5d: {  	_ =	shalt  }
0x5e: {  	_ =	shalt  }
0x5f: {  	_ =	shalt  }
0x60: {  	_ =	shalt  }
0x61: {  	_ =	shalt  }
0x62: {  	_ =	shalt  }
0x63: {  	_ =	shalt  }
0x64: {  	_ =	shalt  }
0x65: {  	_ =	shalt  }
0x66: {  	_ =	shalt  }
0x67: {  	_ =	shalt  }
0x68: {  	_ =	shalt  }
0x69: {  	_ =	shalt  }
0x6a: {  	_ =	shalt  }
0x6b: {  	_ =	shalt  }
0x6c: {  	_ =	shalt  }
0x6d: {  	_ =	shalt  }
0x6e: {  	_ =	shalt  }
0x6f: {  	_ =	shalt  }
0x70: {  	_ =	shalt  }
0x71: {  	_ =	shalt  }
0x72: {  	_ =	shalt  }
0x73: {  	_ =	shalt  }
0x74: {  	_ =	shalt  }
0x75: {  	_ =	shalt  }
0x76: {  	_ =	shalt  }
0x77: {  	_ =	shalt  }
0x78: {  	_ =	shalt  }
0x79: {  	_ =	shalt  }
0x7a: {  	_ =	shalt  }
0x7b: {  	_ =	shalt  }
0x7c: {  	_ =	shalt  }
0x7d: {  	_ =	shalt  }
0x7e: {  	_ =	shalt  }
0x7f: {  	_ =	shalt  }
0x80: {  	_ =	shalt  }
0x81: {  	_ =	shalt  }
0x82: {  	_ =	shalt  }
0x83: {  	_ =	shalt  }
0x84: {  	_ =	shalt  }
0x85: {  	_ =	shalt  }
0x86: {  	_ =	shalt  }
0x87: {  	_ =	shalt  }
.Lfunc_end0:
.L_simem_size_0:
called_computation.1_lowered:
.L_overlay_start_0:
0x88: {  	s2 =	sld [smem:$0x3FD9]  }
0x89: {  	s3 =	sld [smem:$0x3FFE];
	_ =	sdelay $0x1  }
0x8a: {  	s1 =	srdreg.scid  }
0x8b: {  	s0 =	sand.u32 $0x1, s1  }
0x8c: {  	s17 =	sshll.u32 s0, $0xA;
	s2 =	sadd.s32 s3, s2  }
0x8d: {  	s2 =	sadd.s32 s2, s17  }
0x8e: {  	[smem:$0x3FC3] =	sst s2  }
0x8f: {  	_ = 	snop  }
0x90: {  	(tm) =	ssettm $0x1  }
0x91: {  	s18 =	sld [smem:$0x3FFB];
	_ =	sdelay $0x3  }
0x92: {  	_ =	strace s18  }
0x93: {  	s2 =	sld [smem:$0x3FFC];
	_ =	sdelay $0x3  }
0x94: {  	_ =	strace s2  }
0x95: {  	s2 =	sld [smem:$0x3FFD];
	_ =	sdelay $0x3  }
0x96: {  	_ =	strace s2  }
0x97: {  	_ =	strace $0x8FFFFFFF  }
0x98: {  	s19 =	sld [smem:$0x3FDB];
	_ =	sdelay $0x1  }
0x99: {  	s20 =	simm.s32 $_scs_section_size  }
0x9a: {  	s4 =	simm.s32 $_size__tile_overlayer_lowered;
	s5 =	simm.s32 $_tile_overlayer_lowered  }
0x9b: {  	s6 =	simm.s32 $0x1BFF;
	s21 =	sshll.u32 s5, $0x1;
	s3 =	sadd.s32 s20, s19  }
0x9c: {  	s22 =	simm.s32 $0x0;
	s4 =	sshll.u32 s4, $0x1;
	s5 =	sadd.s32 s21, s3  }
0x9d: {  	[timem:s22], [sflag:s6] =	dma.local [hbm:s5], s4  }
0x9e: {  	_ =	swait.ge [sflag:s6], s4  }
0x9f: {  	s4 =	ssub.s32 $0x0, s4;
	[sflag:s6] =	ssyncset.done $0x0  }
0xa0: {  	[sflag:s6] =	ssyncadd.s32 s4;
	_ =	sdelay $0x1  }
0xa1: {  	s23 =	simm.s32 $0x1B8B  }
0xa2: {  	_ =	swait.ge [sflag:s23], $0x1  }
0xa3: {  	[sflag:s23] =	ssyncset.done $0x0  }
0xa4: {  	[sflag:s23] =	ssyncadd.s32 $0xFFFFFFFF  }
0xa5: {  	s4 =	sld [smem:$0x0]  }
0xa6: {  	s5 =	sand.u32 $0xFFFFFFFE, s1  }
0xa7: {  	p0 =	sne.s32 s1, s5  }
0xa8: {  	s5 =	sshll.u32 @p0 s5, $0xE  }
0xa9: {  	s5 =	sadd.s32 @p0 $0x11B8D, s5;
	s6 =	sshll.u32 @p0 s4, $0x11  }
0xaa: {  	s5 =	sor.u32 @p0 s6, s5  }
0xab: {  	[sflag:s5] =	ssyncadd.remote.s32 @p0 $0x1;
	_ =	sdelay $0x1  }
0xac: {  	s5 =	simm.s32 @p0 $0x1B8D  }
0xad: {  	_ =	swait.eq @p0 [sflag:s5], $0x1  }
0xae: {  	[sflag:s5] =	ssyncadd.s32 @p0 $0xFFFFFFFF  }
0xaf: {  	s6 =	sshll.u32 @!p0 s1, $0xE  }
0xb0: {  	s6 =	sor.u32 @!p0 $0x4000, s6;
	s5 =	simm.s32 @!p0 $0x1B8D  }
0xb1: {  	s4 =	sshll.u32 @!p0 s4, $0x11;
	s6 =	sadd.s32 @!p0 $0x11B8D, s6;
	_ =	swait.eq @!p0 [sflag:s5], $0x1  }
0xb2: {  	s4 =	sor.u32 @!p0 s4, s6;
	[sflag:s5] =	ssyncadd.s32 @!p0 $0xFFFFFFFF  }
0xb3: {  	s25 =	simm.s32 $0x1B8E;
	s24 =	sld [smem:$0x3FFE];
	[sflag:s4] =	ssyncadd.remote.s32 @!p0 $0x1  }
0xb4: {  	s26 =	simm.s32 $execute0_lowered;
	[smem:$0x3FD2] =	sst s25  }
0xb5: {  	s5 =	sshll.u32 s26, $0x1;
	_ =	strace $0x8000004C;
	[dreg:$0x1] =	wrdreg $0xFFFFFFFF  }
0xb6: {  	s28 =	simm.s32 $_size_execute0_lowered;
	s3 =	sadd.s32 s3, s5;
	[dreg:$0x0] =	wrdreg $0x0  }
0xb7: {  	s5 =	sshll.u32 s28, $0x1;
	[dreg:$0x2] =	wrdreg s3  }
0xb8: {  	[dreg:$0x3] =	wrdreg s5  }
0xb9: {  	[dreg:$0x4] =	wrdreg $0xC0  }
0xba: {  	_ =	task [dreg:s22], $0x5FFFF  }
0xbb: {  	[dreg:$0x1] =	wrdreg $0xFFFFFFFF  }
0xbc: {  	[dreg:$0x0] =	wrdreg $0x60  }
0xbd: {  	[dreg:$0x2] =	wrdreg s24  }
0xbe: {  	[dreg:$0x3] =	wrdreg $0xA  }
0xbf: {  	_ =	task.clear_ibuf [dreg:s22], $0x4FFFF;
	_ =	strace $0x9000004C  }
0xc0: {  	s29 =	simm.s32 $0xA;
	_ =	strace $0x8000004E  }
0xc1: {  	_ =	swait.ge [sflag:s29], $0x1  }
0xc2: {  	[sflag:s29] =	ssyncadd.s32 $0xFFFFFFFF  }
0xc3: {  	_ =	strace $0x9000004E  }
0xc4: {  	_ =	sfence  }
0xc5: {  	s30 =	sld [smem:$0x0];
	_ =	sdelay $0x2  }
0xc6: {  	s31 =	sshll.u32 s1, $0xD;
	s1 =	sshrl.u32 s1, $0x2  }
0xc7: {  	s4 =	sand.u32 $0x4000, s31;
	s1 =	sadd.s32 s1, s30  }
0xc8: {  	s0 =	sor.u32 s4, s0;
	s1 =	sshll.u32 s1, $0x11  }
0xc9: {  	s0 =	sor.u32 s1, s0  }
0xca: {  	s0 =	sadd.s32 $0x8F2B, s0  }
0xcb: {  	[sflag:s0] =	ssyncadd.remote.s32 $0x1  }
0xcc: {  	_ =	sfence.sel $0xFFFF  }
0xcd: {  	[dreg:$0x0] =	wrdreg $0xFFFFFFFF;
	(pc) =	sbr.abs _section_cstart, $3  }
0xce: {  	[dreg:$0x1] =	wrdreg $0xFFFFFFFF  }
0xcf: {  	_ =	task.clear_ibuf [dreg:s22], $0x2FFFF;
	_ =	strace $0x9FFFFFFF  }
0xd0: {  	(tm) =	ssettm $0x7FFFFFFF  }
0xd1: {  	_ =	shalt  }
tec
execute0_lowered:
.L_overlay_start_1:
0x0: {  	(tag) =	ssettag $0x1  }
0x1: {  	s1 =	srdreg.scid  }
0x2: {  	s0 =	stileid.u32;
	s10 =	sand.u32 $0x1, s1  }
0x3: {  	s8 =	rddreg [dreg:$0x0];
	s3 =	sshll.u32 s0, $0xC;
	s4 =	sshll.u32 s10, $0xB  }
0x4: {  	s2 =	simm.s32 $0x0;
	s1 =	rddreg [dreg:$0x1];
	s9 =	sor.u32 s4, s3  }
0x5: {  	[smem:$0x7FF] =	sst s2;
	s11 =	sadd.s32 $0x10B200, s8;
	s3 =	sshrl.u32 s9, $0x3  }
0x6: {  	_ =	strace $0x8000004D;
	s4 =	sadd.s32 s11, s3;
	s3 =	simm.s32 $0x2  }
0x7: {  	[tilespmem:s2], [sflag:$0x2] =	stream.linear.gather [hbm4b:s4+s2], $0x400, $0x38;
	[tilespmem:$0x10400] =	vst v63  }
0x8: {  	_ =	swait.ge [sflag:s3], $0x400  }
0x9: {  	s6 =	simm.s32 $0x400;
	[sflag:s3] =	ssyncset.done $0x0  }
0xa: {  	s7 =	simm.s32 $0x1;
	s5 =	sadd.s32 $0x10D200, s8;
	[sflag:s3] =	ssyncadd.s32 $0xFFFFFC00  }
0xb: {  	[tilespmem:s6], [sflag:$0x1] =	stream.indirect.gather [hbm4b:s5+s6], $0x40, s2, s6, $0xb8;
	[tilespmem:$0x10400] =	vst v63  }
0xc: {  	_ =	swait.ge [sflag:s7], $0x10000  }
0xd: {  	s12 =	sadd.s32 $0x111200, s8;
	s29 =	sshll.u32 s9, $0x3;
	[sflag:s7] =	ssyncset.done $0x0  }
0xe: {  	s8 =	sadd.s32 s12, s29;
	[sflag:s7] =	ssyncadd.s32 $0xFFFF0000  }
0xf: {  	[hbm4b:s8+s2] =	stream.linear.scatter [tilespmem:s6], [sflag:$0x2], $0x10000, $0x38;
	[tilespmem:$0x10400] =	vst v63  }
0x10: {  	s13 =	sor.u32 $0x400, s9;
	_ =	swait.ge [sflag:s3], $0x10000  }
0x11: {  	s9 =	sshrl.u32 s13, $0x3;
	[sflag:s3] =	ssyncset.done $0x0  }
0x12: {  	s10 =	ssub.s32 $0x2, s10;
	s9 =	sadd.s32 s11, s9;
	[sflag:s3] =	ssyncadd.s32 $0xFFFF0000  }
0x13: {  	[tilespmem:s2], [sflag:$0x2] =	stream.linear.gather [hbm4b:s9+s2], $0x400, $0x38;
	[tilespmem:$0x10400] =	vst v63  }
0x14: {  	s30 =	sshrl.u32 s10, $0x1;
	_ =	swait.ge [sflag:s3], $0x400  }
0x15: {  	s11 =	ssub.s32 s10, s30;
	[sflag:s3] =	ssyncset.done $0x0  }
0x16: {  	s11 =	smax.u32 s11, $0x1;
	[sflag:s3] =	ssyncadd.s32 $0xFFFFFC00  }
0x17: {  	[tilespmem:s6], [sflag:$0x1] =	stream.indirect.gather [hbm4b:s5+s6], $0x40, s2, s6, $0xb8;
	[tilespmem:$0x10400] =	vst v63  }
0x18: {  	p0 =	sne.s32 s11, $0x1;
	_ =	swait.ge [sflag:s7], $0x10000  }
.Ltmp0:
0x19: {  	s31 =	sshll.u32 s13, $0x3;
	[sflag:s7] =	ssyncset.done $0x0;
	(pc) =	sbr.rel @!p0 .LBB2_2-.Ltmp0, $4  }
0x1a: {  	s10 =	sadd.s32 s12, s31;
	[sflag:s7] =	ssyncadd.s32 $0xFFFF0000  }
0x1b: {  	[hbm4b:s10+s2] =	stream.linear.scatter [tilespmem:s6], [sflag:$0x2], $0x10000, $0x38;
	[tilespmem:$0x10400] =	vst v63  }
0x1c: {  	_ =	swait.ge [sflag:s3], $0x10000  }
0x1d: {  	s11 =	sadd.s32 $0xFFFFFFFF, s11;
	[sflag:s3] =	ssyncset.done $0x0  }
.LBB2_1:
0x1e: {  	p0 =	sne.s32 s11, $0x1;
	s11 =	sadd.s32 $0xFFFFFFFF, s11;
	[sflag:s3] =	ssyncadd.s32 $0xFFFF0000  }
0x1f: {  	[tilespmem:s2], [sflag:$0x2] =	stream.linear.gather [hbm4b:s4+s2], $0x400, $0x38;
	[tilespmem:$0x10400] =	vst v63  }
0x20: {  	_ =	swait.ge [sflag:s3], $0x400  }
0x21: {  	[sflag:s3] =	ssyncset.done $0x0  }
0x22: {  	[sflag:s3] =	ssyncadd.s32 $0xFFFFFC00  }
0x23: {  	[tilespmem:s6], [sflag:$0x1] =	stream.indirect.gather [hbm4b:s5+s6], $0x40, s2, s6, $0xb8;
	[tilespmem:$0x10400] =	vst v63  }
0x24: {  	_ =	swait.ge [sflag:s7], $0x10000  }
0x25: {  	[sflag:s7] =	ssyncset.done $0x0  }
0x26: {  	[sflag:s7] =	ssyncadd.s32 $0xFFFF0000  }
0x27: {  	[hbm4b:s8+s2] =	stream.linear.scatter [tilespmem:s6], [sflag:$0x2], $0x10000, $0x38;
	[tilespmem:$0x10400] =	vst v63  }
0x28: {  	_ =	swait.ge [sflag:s3], $0x10000  }
0x29: {  	[sflag:s3] =	ssyncset.done $0x0  }
0x2a: {  	[sflag:s3] =	ssyncadd.s32 $0xFFFF0000  }
0x2b: {  	[tilespmem:s2], [sflag:$0x2] =	stream.linear.gather [hbm4b:s9+s2], $0x400, $0x38;
	[tilespmem:$0x10400] =	vst v63  }
0x2c: {  	_ =	swait.ge [sflag:s3], $0x400  }
0x2d: {  	[sflag:s3] =	ssyncset.done $0x0  }
0x2e: {  	[sflag:s3] =	ssyncadd.s32 $0xFFFFFC00  }
0x2f: {  	[tilespmem:s6], [sflag:$0x1] =	stream.indirect.gather [hbm4b:s5+s6], $0x40, s2, s6, $0xb8;
	[tilespmem:$0x10400] =	vst v63  }
0x30: {  	_ =	swait.ge [sflag:s7], $0x10000  }
.Ltmp1:
0x31: {  	[sflag:s7] =	ssyncset.done $0x0;
	(pc) =	sbr.rel @p0 .LBB2_1-.Ltmp1, $4  }
0x32: {  	[sflag:s7] =	ssyncadd.s32 $0xFFFF0000  }
0x33: {  	[hbm4b:s10+s2] =	stream.linear.scatter [tilespmem:s6], [sflag:$0x2], $0x10000, $0x38;
	[tilespmem:$0x10400] =	vst v63  }
0x34: {  	_ =	swait.ge [sflag:s3], $0x10000  }
0x35: {  	[sflag:s3] =	ssyncset.done $0x0  }
.LBB2_2:
0x36: {  	[sflag:s3] =	ssyncadd.s32 $0xFFFF0000  }
0x37: {  	_ =	sfence.sel $0x180000  }
0x38: {  	[bflag:$0x0] =	sbarrier.arrive $0xFFFF  }
0x39: {  	p0 =	sne.s32 s0, $0x0;
	_ =	strace $0x9000004D  }
0x3a: {  	s0 =	sadd.s32 @!p0 $0x100000, s1;
	[bflag:$0x2] =	sbarrier.arrive $0xFFFF  }
0x3b: {  	[sflag:s0] =	ssyncadd.tile.s32 @!p0 $0x1;
	_ =	shalt  }
.Lfunc_end2:
_tile_overlayer_lowered:
.L_overlay_start_2:
0x3c: {  	(tag) =	ssettag $0x2  }
0x3d: {  	s0 =	rddreg [dreg:$0x0];
	s2 =	stileid.u32  }
0x3e: {  	s1 =	rddreg [dreg:$0x1];
	p0 =	sne.s32 s2, $0x0  }
0x3f: {  	s3 =	rddreg [dreg:$0x2];
	[bflag:$0x3] =	sbarrier.arrive $0xFFFF;
	s2 =	simm.s32 @!p0 $0x1C02  }
0x40: {  	[timem:s3], [sflag:s2] =	dma.local @!p0 [hbm:s0], s1  }
0x41: {  	s0 =	simm.s32 @!p0 $0x2  }
0x42: {  	_ =	swait.ge @!p0 [sflag:s0], s1  }
0x43: {  	s1 =	ssub.s32 @!p0 $0x0, s1;
	[sflag:s0] =	ssyncset.done @!p0 $0x0  }
0x44: {  	[sflag:s0] =	ssyncadd.s32 @!p0 s1  }
0x45: {  	[bflag:$0x3] =	sbarrier.arrive $0xFFFF  }
0x46: {  	_ =	shalt  }

// kernel: kernel.24.cloned.1.call-start
scs
__scs_entry_jumppad:
0x0: {  	(pc) =	sbr.rel $0x88, $3  }
0x1: {  	(tag) =	ssettag $0x0;
	lr =	simm.s32 $0x1  }
0x2: {  	[smem:$0x3F9C] =	sst lr;
	_ =	strace $0xD0000000  }
0x3: {  	_ = 	snop  }
0x4: {  	_ = 	snop  }
0x5: {  	_ = 	snop  }
0x6: {  	_ = 	snop  }
0x7: {  	_ = 	snop  }
__scs_overlays_trampoline_lowered:
0x8: {  	[smem:$0x3FAB] =	sst s0  }
0x9: {  	[smem:$0x3FAC] =	sst s1  }
0xa: {  	[smem:$0x3FAD] =	sst s2  }
0xb: {  	[smem:$0x3FAE] =	sst s3  }
0xc: {  	[smem:$0x3FAF] =	sst s4  }
0xd: {  	[smem:$0x3FB0] =	sst s5  }
0xe: {  	[smem:$0x3FB1] =	sst s6  }
0xf: {  	[smem:$0x3FB2] =	sst s7  }
0x10: {  	[smem:$0x3FB3] =	sst s8  }
0x11: {  	[smem:$0x3FB4] =	sst s9;
	s0 =	simm.s32 @!p0 $0x0  }
0x12: {  	s1 =	sld [smem:$0x3F9A];
	s0 =	simm.s32 @p0 $0x1  }
0x13: {  	[smem:$0x3FB5] =	sst s0;
	s0 =	simm.s32 @!p1 $0x0  }
0x14: {  	s2 =	sld [smem:$0x3F99];
	s0 =	simm.s32 @p1 $0x1  }
0x15: {  	[smem:$0x3FB6] =	sst s0;
	s0 =	simm.s32 @!p2 $0x0  }
0x16: {  	s3 =	sld [smem:$0x3FDB];
	s0 =	simm.s32 @p2 $0x1  }
0x17: {  	s4 =	simm.s32 $0x1BF5;
	[smem:$0x3FB8] =	sst s0  }
0x18: {  	s0 =	sld [smem:$0x3F9B];
	_ =	swait.ge [sflag:s4], $0x0  }
0x19: {  	s7 =	sld [smem:$0x3F9C]  }
0x1a: {  	s8 =	sadd.s32 $0xFFFFE003, lr  }
0x1b: {  	s9 =	sadd.s32 $0xFFFFFEF7, lr;
	s5 =	simm.s32 $0xFFFFFFFF;
	p2 =	slt.u32 s8, $0xFFFFF086  }
0x1c: {  	p1 =	slt.u32 s9, $0xF7A;
	s5 =	simm.s32 @!p2 $0x0  }
0x1d: {  	s5 =	simm.s32 @p1 $0x1;
	p0 =	seq.s32 s7, s2  }
0x1e: {  	s7 =	smul.u32 @!p0 $0xF7A, s2;
	p2 =	seq.s32 @!p0 s5, $0x0  }
0x1f: {  	s9 =	smul.u32 $0xF7A, s1;
	s8 =	simm.s32 @!p0 $0x1BF5;
	p2 =	por !p2, p0  }
0x20: {  	[sflag:s8] =	ssyncset.s32 @!p0 $0xFFFFF086;
	s6 =	sadd.s32 @!p0 s3, s7;
	s7 =	simm.s32 @!p0 $0x108  }
0x21: {  	s3 =	sadd.s32 s3, s9;
	s6 =	sadd.s32 @!p0 $0x88, s6;
	s7 =	simm.s32 @p2 $0x1082  }
0x22: {  	[simem:s7], [sflag:s8] =	dma.local @!p0 [hbm:s6], $0xF7A  }
0x23: {  	s9 =	sor.u32 $0xD0000000, s2;
	s6 =	simm.s32 $0x108;
	_ =	swait.ge @!p0 [sflag:s8], $0x0  }
0x24: {  	s3 =	sadd.s32 $0x88, s3;
	s6 =	simm.s32 @!p1 $0x1082;
	[sflag:s4] =	ssyncset.s32 $0xFFFFF086  }
0x25: {  	[simem:s6], [sflag:s4] =	dma.local [hbm:s3], $0xF7A  }
0x26: {  	[smem:$0x3F9C] =	sst s1;
	(tag) =	ssettag s2;
	_ =	strace s9  }
0x27: {  	s1 =	sld [smem:$0x3FAC]  }
0x28: {  	s2 =	sld [smem:$0x3FAD]  }
0x29: {  	s4 =	sld [smem:$0x3FAF]  }
0x2a: {  	p0 =	seq.s32 s5, $0x0;
	s5 =	sld [smem:$0x3FB0]  }
0x2b: {  	s6 =	sld [smem:$0x3FB1]  }
0x2c: {  	s7 =	sld [smem:$0x3FB2]  }
0x2d: {  	s3 =	simm.s32 $0x108;
	s8 =	sld [smem:$0x3FB3]  }
0x2e: {  	s3 =	simm.s32 @!p0 $0x1082;
	s9 =	sld [smem:$0x3FB4]  }
0x2f: {  	lr =	sadd.s32 s0, s3;
	s0 =	sld [smem:$0x3FAB]  }
0x30: {  	s3 =	sld [smem:$0x3FAE]  }
0x31: {  	[smem:$0x3FB7] =	sst s10  }
0x32: {  	s10 =	sld [smem:$0x3FB5];
	_ =	sdelay $0x3  }
0x33: {  	p0 =	seq.s32 s10, $0x1;
	s10 =	sld [smem:$0x3FB7];
	_ =	sdelay $0x3  }
0x34: {  	[smem:$0x3FB7] =	sst s10  }
0x35: {  	s10 =	sld [smem:$0x3FB6];
	_ =	sdelay $0x3  }
0x36: {  	p1 =	seq.s32 s10, $0x1;
	s10 =	sld [smem:$0x3FB7];
	_ =	sdelay $0x3  }
0x37: {  	[smem:$0x3FB7] =	sst s10  }
0x38: {  	s10 =	sld [smem:$0x3FB8]  }
0x39: {  	_ = 	snop;
	(pc) =	sbr.ind lr, $3  }
0x3a: {  	_ = 	snop  }
0x3b: {  	_ = 	snop  }
0x3c: {  	p2 =	seq.s32 s10, $0x1;
	s10 =	sld [smem:$0x3FB7]  }
0x3d: {  	_ =	shalt  }
0x3e: {  	_ =	shalt  }
0x3f: {  	_ =	shalt  }
0x40: {  	_ =	shalt  }
0x41: {  	_ =	shalt  }
0x42: {  	_ =	shalt  }
0x43: {  	_ =	shalt  }
0x44: {  	_ =	shalt  }
0x45: {  	_ =	shalt  }
0x46: {  	_ =	shalt  }
0x47: {  	_ =	shalt  }
0x48: {  	_ =	shalt  }
0x49: {  	_ =	shalt  }
0x4a: {  	_ =	shalt  }
0x4b: {  	_ =	shalt  }
0x4c: {  	_ =	shalt  }
0x4d: {  	_ =	shalt  }
0x4e: {  	_ =	shalt  }
0x4f: {  	_ =	shalt  }
0x50: {  	_ =	shalt  }
0x51: {  	_ =	shalt  }
0x52: {  	_ =	shalt  }
0x53: {  	_ =	shalt  }
0x54: {  	_ =	shalt  }
0x55: {  	_ =	shalt  }
0x56: {  	_ =	shalt  }
0x57: {  	_ =	shalt  }
0x58: {  	_ =	shalt  }
0x59: {  	_ =	shalt  }
0x5a: {  	_ =	shalt  }
0x5b: {  	_ =	shalt  }
0x5c: {  	_ =	shalt  }
0x5d: {  	_ =	shalt  }
0x5e: {  	_ =	shalt  }
0x5f: {  	_ =	shalt  }
0x60: {  	_ =	shalt  }
0x61: {  	_ =	shalt  }
0x62: {  	_ =	shalt  }
0x63: {  	_ =	shalt  }
0x64: {  	_ =	shalt  }
0x65: {  	_ =	shalt  }
0x66: {  	_ =	shalt  }
0x67: {  	_ =	shalt  }
0x68: {  	_ =	shalt  }
0x69: {  	_ =	shalt  }
0x6a: {  	_ =	shalt  }
0x6b: {  	_ =	shalt  }
0x6c: {  	_ =	shalt  }
0x6d: {  	_ =	shalt  }
0x6e: {  	_ =	shalt  }
0x6f: {  	_ =	shalt  }
0x70: {  	_ =	shalt  }
0x71: {  	_ =	shalt  }
0x72: {  	_ =	shalt  }
0x73: {  	_ =	shalt  }
0x74: {  	_ =	shalt  }
0x75: {  	_ =	shalt  }
0x76: {  	_ =	shalt  }
0x77: {  	_ =	shalt  }
0x78: {  	_ =	shalt  }
0x79: {  	_ =	shalt  }
0x7a: {  	_ =	shalt  }
0x7b: {  	_ =	shalt  }
0x7c: {  	_ =	shalt  }
0x7d: {  	_ =	shalt  }
0x7e: {  	_ =	shalt  }
0x7f: {  	_ =	shalt  }
0x80: {  	_ =	shalt  }
0x81: {  	_ =	shalt  }
0x82: {  	_ =	shalt  }
0x83: {  	_ =	shalt  }
0x84: {  	_ =	shalt  }
0x85: {  	_ =	shalt  }
0x86: {  	_ =	shalt  }
0x87: {  	_ =	shalt  }
.Lfunc_end0:
.L_simem_size_0:
called_computation.2_lowered:
.L_overlay_start_0:
0x88: {  	s2 =	sld [smem:$0x3FD9]  }
0x89: {  	s3 =	sld [smem:$0x3FFE];
	_ =	sdelay $0x1  }
0x8a: {  	s1 =	srdreg.scid  }
0x8b: {  	s0 =	sand.u32 $0x1, s1  }
0x8c: {  	s17 =	sshll.u32 s0, $0xA;
	s2 =	sadd.s32 s3, s2  }
0x8d: {  	s2 =	sadd.s32 s2, s17  }
0x8e: {  	[smem:$0x3FC3] =	sst s2  }
0x8f: {  	_ = 	snop  }
0x90: {  	(tm) =	ssettm $0x1  }
0x91: {  	s18 =	sld [smem:$0x3FFB];
	_ =	sdelay $0x3  }
0x92: {  	_ =	strace s18  }
0x93: {  	s2 =	sld [smem:$0x3FFC];
	_ =	sdelay $0x3  }
0x94: {  	_ =	strace s2  }
0x95: {  	s2 =	sld [smem:$0x3FFD];
	_ =	sdelay $0x3  }
0x96: {  	_ =	strace s2  }
0x97: {  	_ =	strace $0x8FFFFFFF  }
0x98: {  	s19 =	sld [smem:$0x3FDB];
	_ =	sdelay $0x1  }
0x99: {  	s20 =	simm.s32 $_scs_section_size  }
0x9a: {  	s4 =	simm.s32 $_size__tile_overlayer_lowered;
	s5 =	simm.s32 $_tile_overlayer_lowered  }
0x9b: {  	s6 =	simm.s32 $0x1BFF;
	s21 =	sshll.u32 s5, $0x1;
	s3 =	sadd.s32 s20, s19  }
0x9c: {  	s22 =	simm.s32 $0x0;
	s4 =	sshll.u32 s4, $0x1;
	s5 =	sadd.s32 s21, s3  }
0x9d: {  	[timem:s22], [sflag:s6] =	dma.local [hbm:s5], s4  }
0x9e: {  	_ =	swait.ge [sflag:s6], s4  }
0x9f: {  	s4 =	ssub.s32 $0x0, s4;
	[sflag:s6] =	ssyncset.done $0x0  }
0xa0: {  	[sflag:s6] =	ssyncadd.s32 s4;
	_ =	sdelay $0x1  }
0xa1: {  	s23 =	simm.s32 $0x1B8B  }
0xa2: {  	_ =	swait.ge [sflag:s23], $0x1  }
0xa3: {  	[sflag:s23] =	ssyncset.done $0x0  }
0xa4: {  	[sflag:s23] =	ssyncadd.s32 $0xFFFFFFFF  }
0xa5: {  	s4 =	sld [smem:$0x0]  }
0xa6: {  	s5 =	sand.u32 $0xFFFFFFFE, s1  }
0xa7: {  	p0 =	sne.s32 s1, s5  }
0xa8: {  	s5 =	sshll.u32 @p0 s5, $0xE  }
0xa9: {  	s5 =	sadd.s32 @p0 $0x11B8D, s5;
	s6 =	sshll.u32 @p0 s4, $0x11  }
0xaa: {  	s5 =	sor.u32 @p0 s6, s5  }
0xab: {  	[sflag:s5] =	ssyncadd.remote.s32 @p0 $0x1;
	_ =	sdelay $0x1  }
0xac: {  	s5 =	simm.s32 @p0 $0x1B8D  }
0xad: {  	_ =	swait.eq @p0 [sflag:s5], $0x1  }
0xae: {  	[sflag:s5] =	ssyncadd.s32 @p0 $0xFFFFFFFF  }
0xaf: {  	s6 =	sshll.u32 @!p0 s1, $0xE  }
0xb0: {  	s6 =	sor.u32 @!p0 $0x4000, s6;
	s5 =	simm.s32 @!p0 $0x1B8D  }
0xb1: {  	s4 =	sshll.u32 @!p0 s4, $0x11;
	s6 =	sadd.s32 @!p0 $0x11B8D, s6;
	_ =	swait.eq @!p0 [sflag:s5], $0x1  }
0xb2: {  	s4 =	sor.u32 @!p0 s4, s6;
	[sflag:s5] =	ssyncadd.s32 @!p0 $0xFFFFFFFF  }
0xb3: {  	s25 =	simm.s32 $0x1B8E;
	s24 =	sld [smem:$0x3FFE];
	[sflag:s4] =	ssyncadd.remote.s32 @!p0 $0x1  }
0xb4: {  	s26 =	simm.s32 $execute0_lowered;
	[smem:$0x3FD2] =	sst s25  }
0xb5: {  	s5 =	sshll.u32 s26, $0x1;
	_ =	strace $0x80000049;
	[dreg:$0x1] =	wrdreg $0xFFFFFFFF  }
0xb6: {  	s28 =	simm.s32 $_size_execute0_lowered;
	s3 =	sadd.s32 s3, s5;
	[dreg:$0x0] =	wrdreg $0x0  }
0xb7: {  	s5 =	sshll.u32 s28, $0x1;
	[dreg:$0x2] =	wrdreg s3  }
0xb8: {  	[dreg:$0x3] =	wrdreg s5  }
0xb9: {  	[dreg:$0x4] =	wrdreg $0xC0  }
0xba: {  	_ =	task [dreg:s22], $0x5FFFF  }
0xbb: {  	[dreg:$0x1] =	wrdreg $0xFFFFFFFF  }
0xbc: {  	[dreg:$0x0] =	wrdreg $0x60  }
0xbd: {  	[dreg:$0x2] =	wrdreg s24  }
0xbe: {  	[dreg:$0x3] =	wrdreg $0xB  }
0xbf: {  	_ =	task.clear_ibuf [dreg:s22], $0x4FFFF;
	_ =	strace $0x90000049  }
0xc0: {  	s29 =	simm.s32 $0xB;
	_ =	strace $0x8000004B  }
0xc1: {  	_ =	swait.ge [sflag:s29], $0x1  }
0xc2: {  	[sflag:s29] =	ssyncadd.s32 $0xFFFFFFFF  }
0xc3: {  	_ =	strace $0x9000004B  }
0xc4: {  	_ =	sfence  }
0xc5: {  	s30 =	sld [smem:$0x0];
	_ =	sdelay $0x2  }
0xc6: {  	s31 =	sshll.u32 s1, $0xD;
	s1 =	sshrl.u32 s1, $0x2  }
0xc7: {  	s4 =	sand.u32 $0x4000, s31;
	s1 =	sadd.s32 s1, s30  }
0xc8: {  	s0 =	sor.u32 s4, s0;
	s1 =	sshll.u32 s1, $0x11  }
0xc9: {  	s0 =	sor.u32 s1, s0  }
0xca: {  	s0 =	sadd.s32 $0x8F2B, s0  }
0xcb: {  	[sflag:s0] =	ssyncadd.remote.s32 $0x1  }
0xcc: {  	_ =	sfence.sel $0xFFFF  }
0xcd: {  	[dreg:$0x0] =	wrdreg $0xFFFFFFFF;
	(pc) =	sbr.abs _section_cstart, $3  }
0xce: {  	[dreg:$0x1] =	wrdreg $0xFFFFFFFF  }
0xcf: {  	_ =	task.clear_ibuf [dreg:s22], $0x2FFFF;
	_ =	strace $0x9FFFFFFF  }
0xd0: {  	(tm) =	ssettm $0x7FFFFFFF  }
0xd1: {  	_ =	shalt  }
tec
execute0_lowered:
.L_overlay_start_1:
0x0: {  	(tag) =	ssettag $0x1  }
0x1: {  	s1 =	srdreg.scid  }
0x2: {  	s0 =	stileid.u32;
	s10 =	sand.u32 $0x1, s1  }
0x3: {  	s8 =	rddreg [dreg:$0x0];
	s3 =	sshll.u32 s0, $0xC;
	s4 =	sshll.u32 s10, $0xB  }
0x4: {  	s2 =	simm.s32 $0x0;
	s1 =	rddreg [dreg:$0x1];
	s9 =	sor.u32 s4, s3  }
0x5: {  	[smem:$0x7FF] =	sst s2;
	s11 =	sadd.s32 $0x85200, s8;
	s3 =	sshrl.u32 s9, $0x3  }
0x6: {  	_ =	strace $0x8000004A;
	s4 =	sadd.s32 s11, s3;
	s3 =	simm.s32 $0x2  }
0x7: {  	[tilespmem:s2], [sflag:$0x2] =	stream.linear.gather [hbm4b:s4+s2], $0x400, $0x38;
	[tilespmem:$0x10400] =	vst v63  }
0x8: {  	_ =	swait.ge [sflag:s3], $0x400  }
0x9: {  	s6 =	simm.s32 $0x400;
	[sflag:s3] =	ssyncset.done $0x0  }
0xa: {  	s7 =	simm.s32 $0x1;
	s5 =	sadd.s32 $0x87200, s8;
	[sflag:s3] =	ssyncadd.s32 $0xFFFFFC00  }
0xb: {  	[tilespmem:s6], [sflag:$0x1] =	stream.indirect.gather [hbm4b:s5+s6], $0x40, s2, s6, $0xb8;
	[tilespmem:$0x10400] =	vst v63  }
0xc: {  	_ =	swait.ge [sflag:s7], $0x10000  }
0xd: {  	s12 =	sadd.s32 $0x8B200, s8;
	s29 =	sshll.u32 s9, $0x3;
	[sflag:s7] =	ssyncset.done $0x0  }
0xe: {  	s8 =	sadd.s32 s12, s29;
	[sflag:s7] =	ssyncadd.s32 $0xFFFF0000  }
0xf: {  	[hbm4b:s8+s2] =	stream.linear.scatter [tilespmem:s6], [sflag:$0x2], $0x10000, $0x38;
	[tilespmem:$0x10400] =	vst v63  }
0x10: {  	s13 =	sor.u32 $0x400, s9;
	_ =	swait.ge [sflag:s3], $0x10000  }
0x11: {  	s9 =	sshrl.u32 s13, $0x3;
	[sflag:s3] =	ssyncset.done $0x0  }
0x12: {  	s10 =	ssub.s32 $0x2, s10;
	s9 =	sadd.s32 s11, s9;
	[sflag:s3] =	ssyncadd.s32 $0xFFFF0000  }
0x13: {  	[tilespmem:s2], [sflag:$0x2] =	stream.linear.gather [hbm4b:s9+s2], $0x400, $0x38;
	[tilespmem:$0x10400] =	vst v63  }
0x14: {  	s30 =	sshrl.u32 s10, $0x1;
	_ =	swait.ge [sflag:s3], $0x400  }
0x15: {  	s11 =	ssub.s32 s10, s30;
	[sflag:s3] =	ssyncset.done $0x0  }
0x16: {  	s11 =	smax.u32 s11, $0x1;
	[sflag:s3] =	ssyncadd.s32 $0xFFFFFC00  }
0x17: {  	[tilespmem:s6], [sflag:$0x1] =	stream.indirect.gather [hbm4b:s5+s6], $0x40, s2, s6, $0xb8;
	[tilespmem:$0x10400] =	vst v63  }
0x18: {  	p0 =	sne.s32 s11, $0x1;
	_ =	swait.ge [sflag:s7], $0x10000  }
.Ltmp0:
0x19: {  	s31 =	sshll.u32 s13, $0x3;
	[sflag:s7] =	ssyncset.done $0x0;
	(pc) =	sbr.rel @!p0 .LBB2_2-.Ltmp0, $4  }
0x1a: {  	s10 =	sadd.s32 s12, s31;
	[sflag:s7] =	ssyncadd.s32 $0xFFFF0000  }
0x1b: {  	[hbm4b:s10+s2] =	stream.linear.scatter [tilespmem:s6], [sflag:$0x2], $0x10000, $0x38;
	[tilespmem:$0x10400] =	vst v63  }
0x1c: {  	_ =	swait.ge [sflag:s3], $0x10000  }
0x1d: {  	s11 =	sadd.s32 $0xFFFFFFFF, s11;
	[sflag:s3] =	ssyncset.done $0x0  }
.LBB2_1:
0x1e: {  	p0 =	sne.s32 s11, $0x1;
	s11 =	sadd.s32 $0xFFFFFFFF, s11;
	[sflag:s3] =	ssyncadd.s32 $0xFFFF0000  }
0x1f: {  	[tilespmem:s2], [sflag:$0x2] =	stream.linear.gather [hbm4b:s4+s2], $0x400, $0x38;
	[tilespmem:$0x10400] =	vst v63  }
0x20: {  	_ =	swait.ge [sflag:s3], $0x400  }
0x21: {  	[sflag:s3] =	ssyncset.done $0x0  }
0x22: {  	[sflag:s3] =	ssyncadd.s32 $0xFFFFFC00  }
0x23: {  	[tilespmem:s6], [sflag:$0x1] =	stream.indirect.gather [hbm4b:s5+s6], $0x40, s2, s6, $0xb8;
	[tilespmem:$0x10400] =	vst v63  }
0x24: {  	_ =	swait.ge [sflag:s7], $0x10000  }
0x25: {  	[sflag:s7] =	ssyncset.done $0x0  }
0x26: {  	[sflag:s7] =	ssyncadd.s32 $0xFFFF0000  }
0x27: {  	[hbm4b:s8+s2] =	stream.linear.scatter [tilespmem:s6], [sflag:$0x2], $0x10000, $0x38;
	[tilespmem:$0x10400] =	vst v63  }
0x28: {  	_ =	swait.ge [sflag:s3], $0x10000  }
0x29: {  	[sflag:s3] =	ssyncset.done $0x0  }
0x2a: {  	[sflag:s3] =	ssyncadd.s32 $0xFFFF0000  }
0x2b: {  	[tilespmem:s2], [sflag:$0x2] =	stream.linear.gather [hbm4b:s9+s2], $0x400, $0x38;
	[tilespmem:$0x10400] =	vst v63  }
0x2c: {  	_ =	swait.ge [sflag:s3], $0x400  }
0x2d: {  	[sflag:s3] =	ssyncset.done $0x0  }
0x2e: {  	[sflag:s3] =	ssyncadd.s32 $0xFFFFFC00  }
0x2f: {  	[tilespmem:s6], [sflag:$0x1] =	stream.indirect.gather [hbm4b:s5+s6], $0x40, s2, s6, $0xb8;
	[tilespmem:$0x10400] =	vst v63  }
0x30: {  	_ =	swait.ge [sflag:s7], $0x10000  }
.Ltmp1:
0x31: {  	[sflag:s7] =	ssyncset.done $0x0;
	(pc) =	sbr.rel @p0 .LBB2_1-.Ltmp1, $4  }
0x32: {  	[sflag:s7] =	ssyncadd.s32 $0xFFFF0000  }
0x33: {  	[hbm4b:s10+s2] =	stream.linear.scatter [tilespmem:s6], [sflag:$0x2], $0x10000, $0x38;
	[tilespmem:$0x10400] =	vst v63  }
0x34: {  	_ =	swait.ge [sflag:s3], $0x10000  }
0x35: {  	[sflag:s3] =	ssyncset.done $0x0  }
.LBB2_2:
0x36: {  	[sflag:s3] =	ssyncadd.s32 $0xFFFF0000  }
0x37: {  	_ =	sfence.sel $0x180000  }
0x38: {  	[bflag:$0x0] =	sbarrier.arrive $0xFFFF  }
0x39: {  	p0 =	sne.s32 s0, $0x0;
	_ =	strace $0x9000004A  }
0x3a: {  	s0 =	sadd.s32 @!p0 $0x100000, s1;
	[bflag:$0x2] =	sbarrier.arrive $0xFFFF  }
0x3b: {  	[sflag:s0] =	ssyncadd.tile.s32 @!p0 $0x1;
	_ =	shalt  }
.Lfunc_end2:
_tile_overlayer_lowered:
.L_overlay_start_2:
0x3c: {  	(tag) =	ssettag $0x2  }
0x3d: {  	s0 =	rddreg [dreg:$0x0];
	s2 =	stileid.u32  }
0x3e: {  	s1 =	rddreg [dreg:$0x1];
	p0 =	sne.s32 s2, $0x0  }
0x3f: {  	s3 =	rddreg [dreg:$0x2];
	[bflag:$0x3] =	sbarrier.arrive $0xFFFF;
	s2 =	simm.s32 @!p0 $0x1C02  }
0x40: {  	[timem:s3], [sflag:s2] =	dma.local @!p0 [hbm:s0], s1  }
0x41: {  	s0 =	simm.s32 @!p0 $0x2  }
0x42: {  	_ =	swait.ge @!p0 [sflag:s0], s1  }
0x43: {  	s1 =	ssub.s32 @!p0 $0x0, s1;
	[sflag:s0] =	ssyncset.done @!p0 $0x0  }
0x44: {  	[sflag:s0] =	ssyncadd.s32 @!p0 s1  }
0x45: {  	[bflag:$0x3] =	sbarrier.arrive $0xFFFF  }
0x46: {  	_ =	shalt  }

// kernel: kernel.27.cloned.1.call-start
scs
__scs_entry_jumppad:
0x0: {  	(pc) =	sbr.rel $0x88, $3  }
0x1: {  	(tag) =	ssettag $0x0;
	lr =	simm.s32 $0x1  }
0x2: {  	[smem:$0x3F9C] =	sst lr;
	_ =	strace $0xD0000000  }
0x3: {  	_ = 	snop  }
0x4: {  	_ = 	snop  }
0x5: {  	_ = 	snop  }
0x6: {  	_ = 	snop  }
0x7: {  	_ = 	snop  }
__scs_overlays_trampoline_lowered:
0x8: {  	[smem:$0x3FAB] =	sst s0  }
0x9: {  	[smem:$0x3FAC] =	sst s1  }
0xa: {  	[smem:$0x3FAD] =	sst s2  }
0xb: {  	[smem:$0x3FAE] =	sst s3  }
0xc: {  	[smem:$0x3FAF] =	sst s4  }
0xd: {  	[smem:$0x3FB0] =	sst s5  }
0xe: {  	[smem:$0x3FB1] =	sst s6  }
0xf: {  	[smem:$0x3FB2] =	sst s7  }
0x10: {  	[smem:$0x3FB3] =	sst s8  }
0x11: {  	[smem:$0x3FB4] =	sst s9;
	s0 =	simm.s32 @!p0 $0x0  }
0x12: {  	s1 =	sld [smem:$0x3F9A];
	s0 =	simm.s32 @p0 $0x1  }
0x13: {  	[smem:$0x3FB5] =	sst s0;
	s0 =	simm.s32 @!p1 $0x0  }
0x14: {  	s2 =	sld [smem:$0x3F99];
	s0 =	simm.s32 @p1 $0x1  }
0x15: {  	[smem:$0x3FB6] =	sst s0;
	s0 =	simm.s32 @!p2 $0x0  }
0x16: {  	s3 =	sld [smem:$0x3FDB];
	s0 =	simm.s32 @p2 $0x1  }
0x17: {  	s4 =	simm.s32 $0x1BF5;
	[smem:$0x3FB8] =	sst s0  }
0x18: {  	s0 =	sld [smem:$0x3F9B];
	_ =	swait.ge [sflag:s4], $0x0  }
0x19: {  	s7 =	sld [smem:$0x3F9C]  }
0x1a: {  	s8 =	sadd.s32 $0xFFFFE003, lr  }
0x1b: {  	s9 =	sadd.s32 $0xFFFFFEF7, lr;
	s5 =	simm.s32 $0xFFFFFFFF;
	p2 =	slt.u32 s8, $0xFFFFF086  }
0x1c: {  	p1 =	slt.u32 s9, $0xF7A;
	s5 =	simm.s32 @!p2 $0x0  }
0x1d: {  	s5 =	simm.s32 @p1 $0x1;
	p0 =	seq.s32 s7, s2  }
0x1e: {  	s7 =	smul.u32 @!p0 $0xF7A, s2;
	p2 =	seq.s32 @!p0 s5, $0x0  }
0x1f: {  	s9 =	smul.u32 $0xF7A, s1;
	s8 =	simm.s32 @!p0 $0x1BF5;
	p2 =	por !p2, p0  }
0x20: {  	[sflag:s8] =	ssyncset.s32 @!p0 $0xFFFFF086;
	s6 =	sadd.s32 @!p0 s3, s7;
	s7 =	simm.s32 @!p0 $0x108  }
0x21: {  	s3 =	sadd.s32 s3, s9;
	s6 =	sadd.s32 @!p0 $0x88, s6;
	s7 =	simm.s32 @p2 $0x1082  }
0x22: {  	[simem:s7], [sflag:s8] =	dma.local @!p0 [hbm:s6], $0xF7A  }
0x23: {  	s9 =	sor.u32 $0xD0000000, s2;
	s6 =	simm.s32 $0x108;
	_ =	swait.ge @!p0 [sflag:s8], $0x0  }
0x24: {  	s3 =	sadd.s32 $0x88, s3;
	s6 =	simm.s32 @!p1 $0x1082;
	[sflag:s4] =	ssyncset.s32 $0xFFFFF086  }
0x25: {  	[simem:s6], [sflag:s4] =	dma.local [hbm:s3], $0xF7A  }
0x26: {  	[smem:$0x3F9C] =	sst s1;
	(tag) =	ssettag s2;
	_ =	strace s9  }
0x27: {  	s1 =	sld [smem:$0x3FAC]  }
0x28: {  	s2 =	sld [smem:$0x3FAD]  }
0x29: {  	s4 =	sld [smem:$0x3FAF]  }
0x2a: {  	p0 =	seq.s32 s5, $0x0;
	s5 =	sld [smem:$0x3FB0]  }
0x2b: {  	s6 =	sld [smem:$0x3FB1]  }
0x2c: {  	s7 =	sld [smem:$0x3FB2]  }
0x2d: {  	s3 =	simm.s32 $0x108;
	s8 =	sld [smem:$0x3FB3]  }
0x2e: {  	s3 =	simm.s32 @!p0 $0x1082;
	s9 =	sld [smem:$0x3FB4]  }
0x2f: {  	lr =	sadd.s32 s0, s3;
	s0 =	sld [smem:$0x3FAB]  }
0x30: {  	s3 =	sld [smem:$0x3FAE]  }
0x31: {  	[smem:$0x3FB7] =	sst s10  }
0x32: {  	s10 =	sld [smem:$0x3FB5];
	_ =	sdelay $0x3  }
0x33: {  	p0 =	seq.s32 s10, $0x1;
	s10 =	sld [smem:$0x3FB7];
	_ =	sdelay $0x3  }
0x34: {  	[smem:$0x3FB7] =	sst s10  }
0x35: {  	s10 =	sld [smem:$0x3FB6];
	_ =	sdelay $0x3  }
0x36: {  	p1 =	seq.s32 s10, $0x1;
	s10 =	sld [smem:$0x3FB7];
	_ =	sdelay $0x3  }
0x37: {  	[smem:$0x3FB7] =	sst s10  }
0x38: {  	s10 =	sld [smem:$0x3FB8]  }
0x39: {  	_ = 	snop;
	(pc) =	sbr.ind lr, $3  }
0x3a: {  	_ = 	snop  }
0x3b: {  	_ = 	snop  }
0x3c: {  	p2 =	seq.s32 s10, $0x1;
	s10 =	sld [smem:$0x3FB7]  }
0x3d: {  	_ =	shalt  }
0x3e: {  	_ =	shalt  }
0x3f: {  	_ =	shalt  }
0x40: {  	_ =	shalt  }
0x41: {  	_ =	shalt  }
0x42: {  	_ =	shalt  }
0x43: {  	_ =	shalt  }
0x44: {  	_ =	shalt  }
0x45: {  	_ =	shalt  }
0x46: {  	_ =	shalt  }
0x47: {  	_ =	shalt  }
0x48: {  	_ =	shalt  }
0x49: {  	_ =	shalt  }
0x4a: {  	_ =	shalt  }
0x4b: {  	_ =	shalt  }
0x4c: {  	_ =	shalt  }
0x4d: {  	_ =	shalt  }
0x4e: {  	_ =	shalt  }
0x4f: {  	_ =	shalt  }
0x50: {  	_ =	shalt  }
0x51: {  	_ =	shalt  }
0x52: {  	_ =	shalt  }
0x53: {  	_ =	shalt  }
0x54: {  	_ =	shalt  }
0x55: {  	_ =	shalt  }
0x56: {  	_ =	shalt  }
0x57: {  	_ =	shalt  }
0x58: {  	_ =	shalt  }
0x59: {  	_ =	shalt  }
0x5a: {  	_ =	shalt  }
0x5b: {  	_ =	shalt  }
0x5c: {  	_ =	shalt  }
0x5d: {  	_ =	shalt  }
0x5e: {  	_ =	shalt  }
0x5f: {  	_ =	shalt  }
0x60: {  	_ =	shalt  }
0x61: {  	_ =	shalt  }
0x62: {  	_ =	shalt  }
0x63: {  	_ =	shalt  }
0x64: {  	_ =	shalt  }
0x65: {  	_ =	shalt  }
0x66: {  	_ =	shalt  }
0x67: {  	_ =	shalt  }
0x68: {  	_ =	shalt  }
0x69: {  	_ =	shalt  }
0x6a: {  	_ =	shalt  }
0x6b: {  	_ =	shalt  }
0x6c: {  	_ =	shalt  }
0x6d: {  	_ =	shalt  }
0x6e: {  	_ =	shalt  }
0x6f: {  	_ =	shalt  }
0x70: {  	_ =	shalt  }
0x71: {  	_ =	shalt  }
0x72: {  	_ =	shalt  }
0x73: {  	_ =	shalt  }
0x74: {  	_ =	shalt  }
0x75: {  	_ =	shalt  }
0x76: {  	_ =	shalt  }
0x77: {  	_ =	shalt  }
0x78: {  	_ =	shalt  }
0x79: {  	_ =	shalt  }
0x7a: {  	_ =	shalt  }
0x7b: {  	_ =	shalt  }
0x7c: {  	_ =	shalt  }
0x7d: {  	_ =	shalt  }
0x7e: {  	_ =	shalt  }
0x7f: {  	_ =	shalt  }
0x80: {  	_ =	shalt  }
0x81: {  	_ =	shalt  }
0x82: {  	_ =	shalt  }
0x83: {  	_ =	shalt  }
0x84: {  	_ =	shalt  }
0x85: {  	_ =	shalt  }
0x86: {  	_ =	shalt  }
0x87: {  	_ =	shalt  }
.Lfunc_end0:
.L_simem_size_0:
called_computation.3_lowered:
.L_overlay_start_0:
0x88: {  	s2 =	sld [smem:$0x3FD9]  }
0x89: {  	s3 =	sld [smem:$0x3FFE];
	_ =	sdelay $0x1  }
0x8a: {  	s1 =	srdreg.scid  }
0x8b: {  	s0 =	sand.u32 $0x1, s1  }
0x8c: {  	s17 =	sshll.u32 s0, $0xA;
	s2 =	sadd.s32 s3, s2  }
0x8d: {  	s2 =	sadd.s32 s2, s17  }
0x8e: {  	[smem:$0x3FC3] =	sst s2  }
0x8f: {  	_ = 	snop  }
0x90: {  	(tm) =	ssettm $0x1  }
0x91: {  	s18 =	sld [smem:$0x3FFB];
	_ =	sdelay $0x3  }
0x92: {  	_ =	strace s18  }
0x93: {  	s2 =	sld [smem:$0x3FFC];
	_ =	sdelay $0x3  }
0x94: {  	_ =	strace s2  }
0x95: {  	s2 =	sld [smem:$0x3FFD];
	_ =	sdelay $0x3  }
0x96: {  	_ =	strace s2  }
0x97: {  	_ =	strace $0x8FFFFFFF  }
0x98: {  	s19 =	sld [smem:$0x3FDB];
	_ =	sdelay $0x1  }
0x99: {  	s20 =	simm.s32 $_scs_section_size  }
0x9a: {  	s4 =	simm.s32 $_size__tile_overlayer_lowered;
	s5 =	simm.s32 $_tile_overlayer_lowered  }
0x9b: {  	s6 =	simm.s32 $0x1BFF;
	s21 =	sshll.u32 s5, $0x1;
	s3 =	sadd.s32 s20, s19  }
0x9c: {  	s22 =	simm.s32 $0x0;
	s4 =	sshll.u32 s4, $0x1;
	s5 =	sadd.s32 s21, s3  }
0x9d: {  	[timem:s22], [sflag:s6] =	dma.local [hbm:s5], s4  }
0x9e: {  	_ =	swait.ge [sflag:s6], s4  }
0x9f: {  	s4 =	ssub.s32 $0x0, s4;
	[sflag:s6] =	ssyncset.done $0x0  }
0xa0: {  	[sflag:s6] =	ssyncadd.s32 s4;
	_ =	sdelay $0x1  }
0xa1: {  	s23 =	simm.s32 $0x1B8B  }
0xa2: {  	_ =	swait.ge [sflag:s23], $0x1  }
0xa3: {  	[sflag:s23] =	ssyncset.done $0x0  }
0xa4: {  	[sflag:s23] =	ssyncadd.s32 $0xFFFFFFFF  }
0xa5: {  	s4 =	sld [smem:$0x0]  }
0xa6: {  	s5 =	sand.u32 $0xFFFFFFFE, s1  }
0xa7: {  	p0 =	sne.s32 s1, s5  }
0xa8: {  	s5 =	sshll.u32 @p0 s5, $0xE  }
0xa9: {  	s5 =	sadd.s32 @p0 $0x11B8D, s5;
	s6 =	sshll.u32 @p0 s4, $0x11  }
0xaa: {  	s5 =	sor.u32 @p0 s6, s5  }
0xab: {  	[sflag:s5] =	ssyncadd.remote.s32 @p0 $0x1;
	_ =	sdelay $0x1  }
0xac: {  	s5 =	simm.s32 @p0 $0x1B8D  }
0xad: {  	_ =	swait.eq @p0 [sflag:s5], $0x1  }
0xae: {  	[sflag:s5] =	ssyncadd.s32 @p0 $0xFFFFFFFF  }
0xaf: {  	s6 =	sshll.u32 @!p0 s1, $0xE  }
0xb0: {  	s6 =	sor.u32 @!p0 $0x4000, s6;
	s5 =	simm.s32 @!p0 $0x1B8D  }
0xb1: {  	s4 =	sshll.u32 @!p0 s4, $0x11;
	s6 =	sadd.s32 @!p0 $0x11B8D, s6;
	_ =	swait.eq @!p0 [sflag:s5], $0x1  }
0xb2: {  	s4 =	sor.u32 @!p0 s4, s6;
	[sflag:s5] =	ssyncadd.s32 @!p0 $0xFFFFFFFF  }
0xb3: {  	s25 =	simm.s32 $0x1B8E;
	s24 =	sld [smem:$0x3FFE];
	[sflag:s4] =	ssyncadd.remote.s32 @!p0 $0x1  }
0xb4: {  	s26 =	simm.s32 $execute0_lowered;
	[smem:$0x3FD2] =	sst s25  }
0xb5: {  	s5 =	sshll.u32 s26, $0x1;
	_ =	strace $0x8000004F;
	[dreg:$0x1] =	wrdreg $0xFFFFFFFF  }
0xb6: {  	s28 =	simm.s32 $_size_execute0_lowered;
	s3 =	sadd.s32 s3, s5;
	[dreg:$0x0] =	wrdreg $0x0  }
0xb7: {  	s5 =	sshll.u32 s28, $0x1;
	[dreg:$0x2] =	wrdreg s3  }
0xb8: {  	[dreg:$0x3] =	wrdreg s5  }
0xb9: {  	[dreg:$0x4] =	wrdreg $0xC0  }
0xba: {  	_ =	task [dreg:s22], $0x5FFFF  }
0xbb: {  	[dreg:$0x1] =	wrdreg $0xFFFFFFFF  }
0xbc: {  	[dreg:$0x0] =	wrdreg $0x60  }
0xbd: {  	[dreg:$0x2] =	wrdreg s24  }
0xbe: {  	[dreg:$0x3] =	wrdreg $0xC  }
0xbf: {  	_ =	task.clear_ibuf [dreg:s22], $0x4FFFF;
	_ =	strace $0x9000004F  }
0xc0: {  	s29 =	simm.s32 $0xC;
	_ =	strace $0x80000051  }
0xc1: {  	_ =	swait.ge [sflag:s29], $0x1  }
0xc2: {  	[sflag:s29] =	ssyncadd.s32 $0xFFFFFFFF  }
0xc3: {  	_ =	strace $0x90000051  }
0xc4: {  	_ =	sfence  }
0xc5: {  	s30 =	sld [smem:$0x0];
	_ =	sdelay $0x2  }
0xc6: {  	s31 =	sshll.u32 s1, $0xD;
	s1 =	sshrl.u32 s1, $0x2  }
0xc7: {  	s4 =	sand.u32 $0x4000, s31;
	s1 =	sadd.s32 s1, s30  }
0xc8: {  	s0 =	sor.u32 s4, s0;
	s1 =	sshll.u32 s1, $0x11  }
0xc9: {  	s0 =	sor.u32 s1, s0  }
0xca: {  	s0 =	sadd.s32 $0x8F2B, s0  }
0xcb: {  	[sflag:s0] =	ssyncadd.remote.s32 $0x1  }
0xcc: {  	_ =	sfence.sel $0xFFFF  }
0xcd: {  	[dreg:$0x0] =	wrdreg $0xFFFFFFFF;
	(pc) =	sbr.abs _section_cstart, $3  }
0xce: {  	[dreg:$0x1] =	wrdreg $0xFFFFFFFF  }
0xcf: {  	_ =	task.clear_ibuf [dreg:s22], $0x2FFFF;
	_ =	strace $0x9FFFFFFF  }
0xd0: {  	(tm) =	ssettm $0x7FFFFFFF  }
0xd1: {  	_ =	shalt  }
tec
execute0_lowered:
.L_overlay_start_1:
0x0: {  	(tag) =	ssettag $0x1  }
0x1: {  	s1 =	srdreg.scid  }
0x2: {  	s0 =	stileid.u32;
	s10 =	sand.u32 $0x1, s1  }
0x3: {  	s8 =	rddreg [dreg:$0x0];
	s3 =	sshll.u32 s0, $0xC;
	s4 =	sshll.u32 s10, $0xB  }
0x4: {  	s2 =	simm.s32 $0x0;
	s1 =	rddreg [dreg:$0x1];
	s9 =	sor.u32 s4, s3  }
0x5: {  	[smem:$0x7FF] =	sst s2;
	s11 =	sadd.s32 $0x191200, s8;
	s3 =	sshrl.u32 s9, $0x3  }
0x6: {  	_ =	strace $0x80000050;
	s4 =	sadd.s32 s11, s3;
	s3 =	simm.s32 $0x2  }
0x7: {  	[tilespmem:s2], [sflag:$0x2] =	stream.linear.gather [hbm4b:s4+s2], $0x400, $0x38;
	[tilespmem:$0x10400] =	vst v63  }
0x8: {  	_ =	swait.ge [sflag:s3], $0x400  }
0x9: {  	s6 =	simm.s32 $0x400;
	[sflag:s3] =	ssyncset.done $0x0  }
0xa: {  	s7 =	simm.s32 $0x1;
	s5 =	sadd.s32 $0x193200, s8;
	[sflag:s3] =	ssyncadd.s32 $0xFFFFFC00  }
0xb: {  	[tilespmem:s6], [sflag:$0x1] =	stream.indirect.gather [hbm4b:s5+s6], $0x40, s2, s6, $0xb8;
	[tilespmem:$0x10400] =	vst v63  }
0xc: {  	_ =	swait.ge [sflag:s7], $0x10000  }
0xd: {  	s12 =	sadd.s32 $0x197200, s8;
	s29 =	sshll.u32 s9, $0x3;
	[sflag:s7] =	ssyncset.done $0x0  }
0xe: {  	s8 =	sadd.s32 s12, s29;
	[sflag:s7] =	ssyncadd.s32 $0xFFFF0000  }
0xf: {  	[hbm4b:s8+s2] =	stream.linear.scatter [tilespmem:s6], [sflag:$0x2], $0x10000, $0x38;
	[tilespmem:$0x10400] =	vst v63  }
0x10: {  	s13 =	sor.u32 $0x400, s9;
	_ =	swait.ge [sflag:s3], $0x10000  }
0x11: {  	s9 =	sshrl.u32 s13, $0x3;
	[sflag:s3] =	ssyncset.done $0x0  }
0x12: {  	s10 =	ssub.s32 $0x2, s10;
	s9 =	sadd.s32 s11, s9;
	[sflag:s3] =	ssyncadd.s32 $0xFFFF0000  }
0x13: {  	[tilespmem:s2], [sflag:$0x2] =	stream.linear.gather [hbm4b:s9+s2], $0x400, $0x38;
	[tilespmem:$0x10400] =	vst v63  }
0x14: {  	s30 =	sshrl.u32 s10, $0x1;
	_ =	swait.ge [sflag:s3], $0x400  }
0x15: {  	s11 =	ssub.s32 s10, s30;
	[sflag:s3] =	ssyncset.done $0x0  }
0x16: {  	s11 =	smax.u32 s11, $0x1;
	[sflag:s3] =	ssyncadd.s32 $0xFFFFFC00  }
0x17: {  	[tilespmem:s6], [sflag:$0x1] =	stream.indirect.gather [hbm4b:s5+s6], $0x40, s2, s6, $0xb8;
	[tilespmem:$0x10400] =	vst v63  }
0x18: {  	p0 =	sne.s32 s11, $0x1;
	_ =	swait.ge [sflag:s7], $0x10000  }
.Ltmp0:
0x19: {  	s31 =	sshll.u32 s13, $0x3;
	[sflag:s7] =	ssyncset.done $0x0;
	(pc) =	sbr.rel @!p0 .LBB2_2-.Ltmp0, $4  }
0x1a: {  	s10 =	sadd.s32 s12, s31;
	[sflag:s7] =	ssyncadd.s32 $0xFFFF0000  }
0x1b: {  	[hbm4b:s10+s2] =	stream.linear.scatter [tilespmem:s6], [sflag:$0x2], $0x10000, $0x38;
	[tilespmem:$0x10400] =	vst v63  }
0x1c: {  	_ =	swait.ge [sflag:s3], $0x10000  }
0x1d: {  	s11 =	sadd.s32 $0xFFFFFFFF, s11;
	[sflag:s3] =	ssyncset.done $0x0  }
.LBB2_1:
0x1e: {  	p0 =	sne.s32 s11, $0x1;
	s11 =	sadd.s32 $0xFFFFFFFF, s11;
	[sflag:s3] =	ssyncadd.s32 $0xFFFF0000  }
0x1f: {  	[tilespmem:s2], [sflag:$0x2] =	stream.linear.gather [hbm4b:s4+s2], $0x400, $0x38;
	[tilespmem:$0x10400] =	vst v63  }
0x20: {  	_ =	swait.ge [sflag:s3], $0x400  }
0x21: {  	[sflag:s3] =	ssyncset.done $0x0  }
0x22: {  	[sflag:s3] =	ssyncadd.s32 $0xFFFFFC00  }
0x23: {  	[tilespmem:s6], [sflag:$0x1] =	stream.indirect.gather [hbm4b:s5+s6], $0x40, s2, s6, $0xb8;
	[tilespmem:$0x10400] =	vst v63  }
0x24: {  	_ =	swait.ge [sflag:s7], $0x10000  }
0x25: {  	[sflag:s7] =	ssyncset.done $0x0  }
0x26: {  	[sflag:s7] =	ssyncadd.s32 $0xFFFF0000  }
0x27: {  	[hbm4b:s8+s2] =	stream.linear.scatter [tilespmem:s6], [sflag:$0x2], $0x10000, $0x38;
	[tilespmem:$0x10400] =	vst v63  }
0x28: {  	_ =	swait.ge [sflag:s3], $0x10000  }
0x29: {  	[sflag:s3] =	ssyncset.done $0x0  }
0x2a: {  	[sflag:s3] =	ssyncadd.s32 $0xFFFF0000  }
0x2b: {  	[tilespmem:s2], [sflag:$0x2] =	stream.linear.gather [hbm4b:s9+s2], $0x400, $0x38;
	[tilespmem:$0x10400] =	vst v63  }
0x2c: {  	_ =	swait.ge [sflag:s3], $0x400  }
0x2d: {  	[sflag:s3] =	ssyncset.done $0x0  }
0x2e: {  	[sflag:s3] =	ssyncadd.s32 $0xFFFFFC00  }
0x2f: {  	[tilespmem:s6], [sflag:$0x1] =	stream.indirect.gather [hbm4b:s5+s6], $0x40, s2, s6, $0xb8;
	[tilespmem:$0x10400] =	vst v63  }
0x30: {  	_ =	swait.ge [sflag:s7], $0x10000  }
.Ltmp1:
0x31: {  	[sflag:s7] =	ssyncset.done $0x0;
	(pc) =	sbr.rel @p0 .LBB2_1-.Ltmp1, $4  }
0x32: {  	[sflag:s7] =	ssyncadd.s32 $0xFFFF0000  }
0x33: {  	[hbm4b:s10+s2] =	stream.linear.scatter [tilespmem:s6], [sflag:$0x2], $0x10000, $0x38;
	[tilespmem:$0x10400] =	vst v63  }
0x34: {  	_ =	swait.ge [sflag:s3], $0x10000  }
0x35: {  	[sflag:s3] =	ssyncset.done $0x0  }
.LBB2_2:
0x36: {  	[sflag:s3] =	ssyncadd.s32 $0xFFFF0000  }
0x37: {  	_ =	sfence.sel $0x180000  }
0x38: {  	[bflag:$0x0] =	sbarrier.arrive $0xFFFF  }
0x39: {  	p0 =	sne.s32 s0, $0x0;
	_ =	strace $0x90000050  }
0x3a: {  	s0 =	sadd.s32 @!p0 $0x100000, s1;
	[bflag:$0x2] =	sbarrier.arrive $0xFFFF  }
0x3b: {  	[sflag:s0] =	ssyncadd.tile.s32 @!p0 $0x1;
	_ =	shalt  }
.Lfunc_end2:
_tile_overlayer_lowered:
.L_overlay_start_2:
0x3c: {  	(tag) =	ssettag $0x2  }
0x3d: {  	s0 =	rddreg [dreg:$0x0];
	s2 =	stileid.u32  }
0x3e: {  	s1 =	rddreg [dreg:$0x1];
	p0 =	sne.s32 s2, $0x0  }
0x3f: {  	s3 =	rddreg [dreg:$0x2];
	[bflag:$0x3] =	sbarrier.arrive $0xFFFF;
	s2 =	simm.s32 @!p0 $0x1C02  }
0x40: {  	[timem:s3], [sflag:s2] =	dma.local @!p0 [hbm:s0], s1  }
0x41: {  	s0 =	simm.s32 @!p0 $0x2  }
0x42: {  	_ =	swait.ge @!p0 [sflag:s0], s1  }
0x43: {  	s1 =	ssub.s32 @!p0 $0x0, s1;
	[sflag:s0] =	ssyncset.done @!p0 $0x0  }
0x44: {  	[sflag:s0] =	ssyncadd.s32 @!p0 s1  }
0x45: {  	[bflag:$0x3] =	sbarrier.arrive $0xFFFF  }
0x46: {  	_ =	shalt  }

</sc_bundles>
